<compile_context>
chip_gen: v7x
topology: tpu7x:2x2x1
jax: 0.10.2.dev20260603
libtpu: 0.0.44.dev20260713+nightly
codegen_flags: <defaults>
</compile_context>

<pallas_src>
import jax
import jax.numpy as jnp
from jax import lax
from jax.experimental import pallas as pl
from jax.experimental.pallas import tpu as pltpu
from jax.experimental.pallas import tpu_sc as plsc

_TOP_K = 1000000
_NB = 32768
_SHIFT = 17
_HALF = 16384
_NSUB = 2
_CHUNK = 4096
_PLANE = 512 * 512
_NPLANES = 128
_NPOS = _PLANE // _CHUNK
_NW = 32
_B, _C, _H, _W = 8, 16, 512, 512
_TC = 17


def _sc_hist_body(pred_hbm, targ_hbm, hist_out, hist, mbuf, pbuf, lbuf,
                  sem_p0, sem_p1, sem_l0, sem_l1):
    cid = lax.axis_index("c")
    sid = lax.axis_index("s")
    wid = sid * 2 + cid

    zeros16 = jnp.zeros((16,), jnp.int32)
    ones16 = jnp.ones((16,), jnp.int32)
    sem_p = (sem_p0, sem_p1)
    sem_l = (sem_l0, sem_l1)

    def zero_body(i, carry):
        hist[pl.ds(i * 16, 16)] = zeros16
        return carry

    lax.fori_loop(0, _NSUB * _NB // 16, zero_body, 0)

    def pos_body(k, carry):
        pos = wid + _NW * k
        r0 = pos * 8
        pltpu.sync_copy(targ_hbm.at[0, 0, pl.ds(r0, 8)], mbuf)

        def start(p, sl):
            b = p // _C
            c = p % _C
            pltpu.async_copy(pred_hbm.at[b, c, pl.ds(r0, 8)],
                             pbuf.at[sl], sem_p[sl])
            pltpu.async_copy(targ_hbm.at[b, c + 1, pl.ds(r0, 8)],
                             lbuf.at[sl], sem_l[sl])

        start(0, 0)
        start(1, 1)

        def plane_pair_body(pp, c2):
            for sl in range(2):
                p = pp * 2 + sl
                pltpu.make_async_copy(pred_hbm.at[0, 0, pl.ds(0, 8)],
                                      pbuf.at[sl], sem_p[sl]).wait()
                pltpu.make_async_copy(targ_hbm.at[0, 0, pl.ds(0, 8)],
                                      lbuf.at[sl], sem_l[sl]).wait()

                @plsc.parallel_loop(0, 256, unroll=8)
                def _groups(g):
                    i = g >> 5
                    s = (g & 31) * 16
                    x = pbuf[sl, i, pl.ds(s, 16)]
                    y = lbuf[sl, i, pl.ds(s, 16)]
                    m = mbuf[i, pl.ds(s, 16)]
                    zb = plsc.bitcast(x, jnp.int32) ^ (y << 31)
                    bn = plsc.bitcast(
                        plsc.bitcast(zb, jnp.uint32) >> _SHIFT, jnp.int32)
                    bn = bn + ((g & 1) << 15)
                    plsc.addupdate_scatter(hist, [bn], ones16,
                                           mask=(m == 0))

                @pl.when(p + 2 < _NPLANES)
                def _():
                    start(p + 2, sl)
            return c2

        lax.fori_loop(0, _NPLANES // 2, plane_pair_body, 0)
        return carry

    lax.fori_loop(0, _NPOS // _NW, pos_body, 0)
    pltpu.sync_copy(hist,
                    hist_out.at[pl.ds(wid * _NSUB * _NB, _NSUB * _NB)])


def _sc_hist(predictions, targets):
    mesh = plsc.VectorSubcoreMesh(core_axis_name="c", subcore_axis_name="s")
    fn = pl.kernel(
        _sc_hist_body,
        out_type=jax.ShapeDtypeStruct((_NW * _NSUB * _NB,), jnp.int32),
        mesh=mesh,
        scratch_types=[
            pltpu.VMEM((_NSUB * _NB,), jnp.int32),
            pltpu.VMEM((8, _W), jnp.int32),
            pltpu.VMEM((2, 8, _W), jnp.float32),
            pltpu.VMEM((2, 8, _W), jnp.int32),
            pltpu.SemaphoreType.DMA,
            pltpu.SemaphoreType.DMA,
            pltpu.SemaphoreType.DMA,
            pltpu.SemaphoreType.DMA,
        ],
        compiler_params=pltpu.CompilerParams(
            needs_layout_passes=False, use_tc_tiling_on_sc=True),
    )
    return fn(predictions, targets)


def _tc_stats_body(keys_ref, pred_ref, lab_ref, mask_hbm, s_ref, c_ref,
                   mask_vmem, dma_sem):
    i = pl.program_id(0)
    j = pl.program_id(1)

    @pl.when((i == 0) & (j == 0))
    def _():
        s_ref[0, 0] = 0.0
        c_ref[0, 0] = 0
        cp = pltpu.make_async_copy(mask_hbm, mask_vmem, dma_sem)
        cp.start()
        cp.wait()

    x = pred_ref[0, 0]
    y = lab_ref[0, 0]
    m = mask_vmem[...]
    xb = lax.bitcast_convert_type(x, jnp.int32)
    zb = xb ^ (y << 31)
    z = lax.bitcast_convert_type(zb, jnp.float32)
    key = zb ^ (lax.shift_right_arithmetic(zb, 31) & jnp.int32(0x7FFFFFFF))
    selhi = (m == 0) & (key >= keys_ref[0])
    sp = jnp.maximum(z, 0.0) + jnp.log1p(jnp.exp(-jnp.abs(z)))
    s_ref[0, 0] += jnp.sum(jnp.where(selhi, sp, 0.0))
    c_ref[0, 0] += jnp.sum(selhi.astype(jnp.int32))


def _tc_stats(keys, predictions, targets):
    blk = (1, 1, _H, _W)
    mask = targets[0, 0]
    return pl.pallas_call(
        _tc_stats_body,
        grid=(_B, _C),
        in_specs=[
            pl.BlockSpec(memory_space=pltpu.SMEM),
            pl.BlockSpec(blk, lambda b, c: (b, c, 0, 0)),
            pl.BlockSpec(blk, lambda b, c: (b, c + 1, 0, 0)),
            pl.BlockSpec(memory_space=pltpu.HBM),
        ],
        out_specs=[
            pl.BlockSpec(memory_space=pltpu.SMEM),
            pl.BlockSpec(memory_space=pltpu.SMEM),
        ],
        out_shape=[
            jax.ShapeDtypeStruct((1, 1), jnp.float32),
            jax.ShapeDtypeStruct((1, 1), jnp.int32),
        ],
        scratch_shapes=[
            pltpu.VMEM((_H, _W), jnp.int32),
            pltpu.SemaphoreType.DMA,
        ],
        compiler_params=pltpu.CompilerParams(
            dimension_semantics=("arbitrary", "arbitrary")),
    )(keys, predictions, targets, mask)


def _u_to_float(u):
    b = jnp.where(u >= jnp.uint32(0x80000000),
                  u - jnp.uint32(0x80000000), ~u)
    return lax.bitcast_convert_type(b, jnp.float32)


def kernel(predictions, targets, batch_idx):
    hall = _sc_hist(predictions, targets).reshape(_NW * _NSUB, _NB)
    h = hall.sum(axis=0)

    h_desc = jnp.concatenate([h[:_HALF][::-1], h[_HALF:]])
    hm = h_desc.reshape(256, 128)
    rowcum = jnp.cumsum(hm.sum(axis=1))
    bi = jnp.argmax(rowcum >= _TOP_K)
    above = jnp.where(bi > 0, rowcum[jnp.maximum(bi - 1, 0)], 0)
    blkcum = jnp.cumsum(lax.dynamic_slice(h_desc, (bi * 128,), (128,))) + above
    dj = jnp.argmax(blkcum >= _TOP_K)
    dstar = bi * 128 + dj
    nb_h = lax.dynamic_slice(h_desc, (dstar,), (1,))[0]
    bstar = (_NB - 1 - dstar).astype(jnp.uint32)

    u_lo = bstar << _SHIFT
    u_hi = jnp.where(bstar == jnp.uint32(_NB - 1),
                     jnp.uint32(0xFFFFFFFF), (bstar + 1) << _SHIFT)
    key_hi = lax.bitcast_convert_type(u_hi ^ jnp.uint32(0x80000000), jnp.int32)
    key_lo = lax.bitcast_convert_type(u_lo ^ jnp.uint32(0x80000000), jnp.int32)
    keys = jnp.stack([key_hi, key_lo])

    s, c = _tc_stats(keys, predictions, targets)
    s = s[0, 0]
    c = c[0, 0]

    zeta_hi = _u_to_float(u_hi)
    zeta_lo = _u_to_float(u_lo)
    rem = _TOP_K - c
    f = jnp.clip(rem.astype(jnp.float32)
                 / jnp.maximum(nb_h.astype(jnp.float32), 1.0), 0.0, 1.0)
    zhat = zeta_hi - (zeta_hi - zeta_lo) * f * 0.5
    shat = jnp.maximum(zhat, 0.0) + jnp.log1p(jnp.exp(-jnp.abs(zhat)))
    return (s + rem.astype(jnp.float32) * shat) / jnp.float32(_TOP_K)

# --- scband reference (transcript-rebuilt; emitter-appended) ---
"""Pipeline reference for scband-custom-bce-32908039422247 (READ-ONLY COPY).

The authoritative reference and input builder live on the scoring server;
editing this copy changes nothing except your own understanding.
"""

import jax, jax.numpy as jnp
import numpy as np

TOP_K = 1000000

def setup_inputs(seed: int = 0) -> dict:
    key = jax.random.key(seed)
    k1, k2 = jax.random.split(key)
    predictions = jax.random.normal(k1, (8, 16, 512, 512), dtype=jnp.float32)
    # targets channel 0 is a validity mask-channel; channels 1: are the binary labels.
    targets = jax.random.randint(k2, (8, 17, 512, 512), 0, 2, dtype=jnp.int32)
    batch_idx = 0  # unused by the module's forward
    return {"predictions": predictions, "targets": targets, "batch_idx": batch_idx}

def _bce_with_logits(x, y):
    # numerically-stable BCEWithLogitsLoss (reduction='none', pos_weight=None)
    return jnp.maximum(x, 0.0) - x * y + jnp.log1p(jnp.exp(-jnp.abs(x)))

def reference(predictions, targets, batch_idx):
    mask = targets[0, 0] == 0  # [H, W]
    y = targets[:, 1:].astype(jnp.float32)  # [B, C, H, W]
    loss = _bce_with_logits(predictions, y)  # [B, C, H, W]
    mask_b = jnp.broadcast_to(mask, loss.shape)
    masked = jnp.where(mask_b, loss, -jnp.inf)
    sel, _ = jax.lax.top_k(masked.reshape(-1), TOP_K)  # SOM: sort descending, keep top_k
    return jnp.mean(sel)

if __name__ == "__main__":
    import jax
    _d = setup_inputs()
    print(jax.jit(kernel)(*tuple(_d.values())))

</pallas_src>

<mosaic_0001>
#map = affine_map<(d0, d1) -> (0, 0, 0, 0)>
#map1 = affine_map<(d0, d1) -> (0)>
module attributes {stable_mosaic.version = 14 : i64} {
  func.func @_sc_hist_body(%arg0: i32, %arg1: i32, %arg2: memref<8x16x512x512xf32, #tpu.memory_space<hbm>>, %arg3: memref<8x17x512x512xi32, #tpu.memory_space<hbm>>, %arg4: memref<2097152xi32, #tpu.memory_space<hbm>>, %arg5: memref<65536xi32, #tpu.memory_space<vmem>>, %arg6: memref<8x512xi32, #tpu.memory_space<vmem>>, %arg7: memref<2x8x512xf32, #tpu.memory_space<vmem>>, %arg8: memref<2x8x512xi32, #tpu.memory_space<vmem>>, %arg9: memref<!tpu.dma_semaphore, #tpu.memory_space<semaphore_mem>>, %arg10: memref<!tpu.dma_semaphore, #tpu.memory_space<semaphore_mem>>, %arg11: memref<!tpu.dma_semaphore, #tpu.memory_space<semaphore_mem>>, %arg12: memref<!tpu.dma_semaphore, #tpu.memory_space<semaphore_mem>>) attributes {dimension_semantics = [#tpu.dimension_semantics<core_parallel>, #tpu.dimension_semantics<subcore_parallel>], iteration_bounds = array<i64: 2, 16>, scalar_prefetch = 0 : i64, scratch_operands = 8 : i64, tpu.core_type = #tpu.core_type<sc_vector_subcore>, window_params = [{transform_indices = #map}, {transform_indices = #map}, {transform_indices = #map1}]} {
    %mul3A = arith.constant 2 : i32
    %mul3A_0 = arith.muli %arg1, %mul3A : i32
    %add3A = arith.addi %mul3A_0, %arg0 : i32
    %broadcast_in_dim3A = arith.constant 0 : i32
    %broadcast_in_dim3A_1 = vector.broadcast %broadcast_in_dim3A : i32 to vector<16xi32>
    %broadcast_in_dim3A_2 = arith.constant 1 : i32
    %broadcast_in_dim3A_3 = vector.broadcast %broadcast_in_dim3A_2 : i32 to vector<16xi32>
    %scan3A = arith.constant 0 : i32
    %scan3A_4 = arith.constant 0 : i32
    %scan3A_5 = arith.constant 4096 : i32
    %scan3A_6 = arith.addi %scan3A_4, %scan3A_5 : i32
    %scan3A_7 = arith.constant 1 : i32
    scf.for %scan3A_19 = %scan3A_4 to %scan3A_6 step %scan3A_7  : i32 {
      %mul3A_20 = arith.constant 16 : i32
      %mul3A_21 = arith.muli %scan3A_19, %mul3A_20 : i32
      %swap3A = arith.index_cast %mul3A_21 : i32 to index
      %swap3A_22 = tpu.vector_load %arg5[%swap3A] {strides = array<i32>} : memref<65536xi32, #tpu.memory_space<vmem>>, vector<16xi32>,
      tpu.vector_store %arg5[%swap3A], %broadcast_in_dim3A_1 {strides = array<i32>} : memref<65536xi32, #tpu.memory_space<vmem>>, vector<16xi32>,
    }
    %scan3A_8 = arith.constant 4096 : i32
    %scan3A_9 = arith.constant 0 : i32
    %scan3A_10 = arith.constant 0 : i32
    %scan3A_11 = arith.constant 2 : i32
    %scan3A_12 = arith.addi %scan3A_10, %scan3A_11 : i32
    %scan3A_13 = arith.constant 1 : i32
    scf.for %scan3A_19 = %scan3A_10 to %scan3A_12 step %scan3A_13  : i32 {
      %mul3A_20 = arith.constant 32 : i32
      %mul3A_21 = arith.muli %mul3A_20, %scan3A_19 : i32
      %add3A_22 = arith.addi %add3A, %mul3A_21 : i32
      %mul3A_23 = arith.constant 8 : i32
      %mul3A_24 = arith.muli %add3A_22, %mul3A_23 : i32
      %run_scoped3A = arith.constant 0 : i32
      %run_scoped3A_25 = arith.constant 0 : i32
      "tpu.region"() ({
        %run_scoped3A_99 = tpu.sem_alloc : memref<!tpu.dma_semaphore, #tpu.memory_space<semaphore_mem>>
        %dma_start3A_100 = arith.constant 0 : i32
        %dma_start3A_101 = tpu.memref_slice %arg3[%run_scoped3A, %run_scoped3A_25, %mul3A_24, %dma_start3A_100] : memref<8x17x512x512xi32, #tpu.memory_space<hbm>> -> memref<1x1x8x512xi32, #tpu.memory_space<hbm>>
        %dma_start3A_102 = tpu.memref_squeeze %dma_start3A_101 : memref<1x1x8x512xi32, #tpu.memory_space<hbm>> -> memref<8x512xi32, #tpu.memory_space<hbm>>
        %dma_start3A_103 = arith.constant 0 : i32
        %dma_start3A_104 = tpu.memref_slice %arg3[%run_scoped3A, %run_scoped3A_25, %mul3A_24, %dma_start3A_103] : memref<8x17x512x512xi32, #tpu.memory_space<hbm>> -> memref<1x1x8x512xi32, #tpu.memory_space<hbm>>
        %dma_start3A_105 = tpu.memref_squeeze %dma_start3A_104 : memref<1x1x8x512xi32, #tpu.memory_space<hbm>> -> memref<8x512xi32, #tpu.memory_space<hbm>>
        tpu.enqueue_dma source(%dma_start3A_105 : memref<8x512xi32, #tpu.memory_space<hbm>>) target(%arg6 : memref<8x512xi32, #tpu.memory_space<vmem>>) target_semaphore(%run_scoped3A_99 : memref<!tpu.dma_semaphore, #tpu.memory_space<semaphore_mem>>)
        %dma_wait3A = arith.constant 0 : i32
        %dma_wait3A_106 = tpu.memref_slice %arg3[%run_scoped3A, %run_scoped3A_25, %mul3A_24, %dma_wait3A] : memref<8x17x512x512xi32, #tpu.memory_space<hbm>> -> memref<1x1x8x512xi32, #tpu.memory_space<hbm>>
        %dma_wait3A_107 = tpu.memref_squeeze %dma_wait3A_106 : memref<1x1x8x512xi32, #tpu.memory_space<hbm>> -> memref<8x512xi32, #tpu.memory_space<hbm>>
        %dma_wait3A_108 = arith.constant 0 : i32
        %dma_wait3A_109 = tpu.memref_slice %arg3[%run_scoped3A, %run_scoped3A_25, %mul3A_24, %dma_wait3A_108] : memref<8x17x512x512xi32, #tpu.memory_space<hbm>> -> memref<1x1x8x512xi32, #tpu.memory_space<hbm>>
        %dma_wait3A_110 = tpu.memref_squeeze %dma_wait3A_109 : memref<1x1x8x512xi32, #tpu.memory_space<hbm>> -> memref<8x512xi32, #tpu.memory_space<hbm>>
        tpu.wait_dma2 semaphore(%run_scoped3A_99 : memref<!tpu.dma_semaphore, #tpu.memory_space<semaphore_mem>>) src(%dma_wait3A_110 : memref<8x512xi32, #tpu.memory_space<hbm>>) dst(%arg6 : memref<8x512xi32, #tpu.memory_space<vmem>>)
        tpu.yield
      }) : () -> ()
      %dma_start3A = arith.constant 0 : i32
      %dma_start3A_26 = arith.constant 0 : i32
      %dma_start3A_27 = arith.constant 0 : i32
      %dma_start3A_28 = arith.constant 0 : i32
      %dma_start3A_29 = arith.constant 0 : i32
      %dma_start3A_30 = tpu.memref_slice %arg7[%dma_start3A_27, %dma_start3A_28, %dma_start3A_29] : memref<2x8x512xf32, #tpu.memory_space<vmem>> -> memref<1x8x512xf32, #tpu.memory_space<vmem>>
      %dma_start3A_31 = tpu.memref_squeeze %dma_start3A_30 : memref<1x8x512xf32, #tpu.memory_space<vmem>> -> memref<8x512xf32, #tpu.memory_space<vmem>>
      %dma_start3A_32 = arith.constant 0 : i32
      %dma_start3A_33 = tpu.memref_slice %arg2[%dma_start3A, %dma_start3A_26, %mul3A_24, %dma_start3A_32] : memref<8x16x512x512xf32, #tpu.memory_space<hbm>> -> memref<1x1x8x512xf32, #tpu.memory_space<hbm>>
      %dma_start3A_34 = tpu.memref_squeeze %dma_start3A_33 : memref<1x1x8x512xf32, #tpu.memory_space<hbm>> -> memref<8x512xf32, #tpu.memory_space<hbm>>
      %dma_start3A_35 = arith.constant 0 : i32
      %dma_start3A_36 = arith.constant 0 : i32
      %dma_start3A_37 = tpu.memref_slice %arg7[%dma_start3A_27, %dma_start3A_35, %dma_start3A_36] : memref<2x8x512xf32, #tpu.memory_space<vmem>> -> memref<1x8x512xf32, #tpu.memory_space<vmem>>
      %dma_start3A_38 = tpu.memref_squeeze %dma_start3A_37 : memref<1x8x512xf32, #tpu.memory_space<vmem>> -> memref<8x512xf32, #tpu.memory_space<vmem>>
      %dma_start3A_39 = arith.constant 0 : i32
      %dma_start3A_40 = tpu.memref_slice %arg2[%dma_start3A, %dma_start3A_26, %mul3A_24, %dma_start3A_39] : memref<8x16x512x512xf32, #tpu.memory_space<hbm>> -> memref<1x1x8x512xf32, #tpu.memory_space<hbm>>
      %dma_start3A_41 = tpu.memref_squeeze %dma_start3A_40 : memref<1x1x8x512xf32, #tpu.memory_space<hbm>> -> memref<8x512xf32, #tpu.memory_space<hbm>>
      tpu.enqueue_dma source(%dma_start3A_41 : memref<8x512xf32, #tpu.memory_space<hbm>>) target(%dma_start3A_38 : memref<8x512xf32, #tpu.memory_space<vmem>>) target_semaphore(%arg9 : memref<!tpu.dma_semaphore, #tpu.memory_space<semaphore_mem>>)
      %dma_start3A_42 = arith.constant 0 : i32
      %dma_start3A_43 = arith.constant 1 : i32
      %dma_start3A_44 = arith.constant 0 : i32
      %dma_start3A_45 = arith.constant 0 : i32
      %dma_start3A_46 = arith.constant 0 : i32
      %dma_start3A_47 = tpu.memref_slice %arg8[%dma_start3A_44, %dma_start3A_45, %dma_start3A_46] : memref<2x8x512xi32, #tpu.memory_space<vmem>> -> memref<1x8x512xi32, #tpu.memory_space<vmem>>
      %dma_start3A_48 = tpu.memref_squeeze %dma_start3A_47 : memref<1x8x512xi32, #tpu.memory_space<vmem>> -> memref<8x512xi32, #tpu.memory_space<vmem>>
      %dma_start3A_49 = arith.constant 0 : i32
      %dma_start3A_50 = tpu.memref_slice %arg3[%dma_start3A_42, %dma_start3A_43, %mul3A_24, %dma_start3A_49] : memref<8x17x512x512xi32, #tpu.memory_space<hbm>> -> memref<1x1x8x512xi32, #tpu.memory_space<hbm>>
      %dma_start3A_51 = tpu.memref_squeeze %dma_start3A_50 : memref<1x1x8x512xi32, #tpu.memory_space<hbm>> -> memref<8x512xi32, #tpu.memory_space<hbm>>
      %dma_start3A_52 = arith.constant 0 : i32
      %dma_start3A_53 = arith.constant 0 : i32
      %dma_start3A_54 = tpu.memref_slice %arg8[%dma_start3A_44, %dma_start3A_52, %dma_start3A_53] : memref<2x8x512xi32, #tpu.memory_space<vmem>> -> memref<1x8x512xi32, #tpu.memory_space<vmem>>
      %dma_start3A_55 = tpu.memref_squeeze %dma_start3A_54 : memref<1x8x512xi32, #tpu.memory_space<vmem>> -> memref<8x512xi32, #tpu.memory_space<vmem>>
      %dma_start3A_56 = arith.constant 0 : i32
      %dma_start3A_57 = tpu.memref_slice %arg3[%dma_start3A_42, %dma_start3A_43, %mul3A_24, %dma_start3A_56] : memref<8x17x512x512xi32, #tpu.memory_space<hbm>> -> memref<1x1x8x512xi32, #tpu.memory_space<hbm>>
      %dma_start3A_58 = tpu.memref_squeeze %dma_start3A_57 : memref<1x1x8x512xi32, #tpu.memory_space<hbm>> -> memref<8x512xi32, #tpu.memory_space<hbm>>
      tpu.enqueue_dma source(%dma_start3A_58 : memref<8x512xi32, #tpu.memory_space<hbm>>) target(%dma_start3A_55 : memref<8x512xi32, #tpu.memory_space<vmem>>) target_semaphore(%arg11 : memref<!tpu.dma_semaphore, #tpu.memory_space<semaphore_mem>>)
      %dma_start3A_59 = arith.constant 0 : i32
      %dma_start3A_60 = arith.constant 1 : i32
      %dma_start3A_61 = arith.constant 1 : i32
      %dma_start3A_62 = arith.constant 0 : i32
      %dma_start3A_63 = arith.constant 0 : i32
      %dma_start3A_64 = tpu.memref_slice %arg7[%dma_start3A_61, %dma_start3A_62, %dma_start3A_63] : memref<2x8x512xf32, #tpu.memory_space<vmem>> -> memref<1x8x512xf32, #tpu.memory_space<vmem>>
      %dma_start3A_65 = tpu.memref_squeeze %dma_start3A_64 : memref<1x8x512xf32, #tpu.memory_space<vmem>> -> memref<8x512xf32, #tpu.memory_space<vmem>>
      %dma_start3A_66 = arith.constant 0 : i32
      %dma_start3A_67 = tpu.memref_slice %arg2[%dma_start3A_59, %dma_start3A_60, %mul3A_24, %dma_start3A_66] : memref<8x16x512x512xf32, #tpu.memory_space<hbm>> -> memref<1x1x8x512xf32, #tpu.memory_space<hbm>>
      %dma_start3A_68 = tpu.memref_squeeze %dma_start3A_67 : memref<1x1x8x512xf32, #tpu.memory_space<hbm>> -> memref<8x512xf32, #tpu.memory_space<hbm>>
      %dma_start3A_69 = arith.constant 0 : i32
      %dma_start3A_70 = arith.constant 0 : i32
      %dma_start3A_71 = tpu.memref_slice %arg7[%dma_start3A_61, %dma_start3A_69, %dma_start3A_70] : memref<2x8x512xf32, #tpu.memory_space<vmem>> -> memref<1x8x512xf32, #tpu.memory_space<vmem>>
      %dma_start3A_72 = tpu.memref_squeeze %dma_start3A_71 : memref<1x8x512xf32, #tpu.memory_space<vmem>> -> memref<8x512xf32, #tpu.memory_space<vmem>>
      %dma_start3A_73 = arith.constant 0 : i32
      %dma_start3A_74 = tpu.memref_slice %arg2[%dma_start3A_59, %dma_start3A_60, %mul3A_24, %dma_start3A_73] : memref<8x16x512x512xf32, #tpu.memory_space<hbm>> -> memref<1x1x8x512xf32, #tpu.memory_space<hbm>>
      %dma_start3A_75 = tpu.memref_squeeze %dma_start3A_74 : memref<1x1x8x512xf32, #tpu.memory_space<hbm>> -> memref<8x512xf32, #tpu.memory_space<hbm>>
      tpu.enqueue_dma source(%dma_start3A_75 : memref<8x512xf32, #tpu.memory_space<hbm>>) target(%dma_start3A_72 : memref<8x512xf32, #tpu.memory_space<vmem>>) target_semaphore(%arg10 : memref<!tpu.dma_semaphore, #tpu.memory_space<semaphore_mem>>)
      %dma_start3A_76 = arith.constant 0 : i32
      %dma_start3A_77 = arith.constant 2 : i32
      %dma_start3A_78 = arith.constant 1 : i32
      %dma_start3A_79 = arith.constant 0 : i32
      %dma_start3A_80 = arith.constant 0 : i32
      %dma_start3A_81 = tpu.memref_slice %arg8[%dma_start3A_78, %dma_start3A_79, %dma_start3A_80] : memref<2x8x512xi32, #tpu.memory_space<vmem>> -> memref<1x8x512xi32, #tpu.memory_space<vmem>>
      %dma_start3A_82 = tpu.memref_squeeze %dma_start3A_81 : memref<1x8x512xi32, #tpu.memory_space<vmem>> -> memref<8x512xi32, #tpu.memory_space<vmem>>
      %dma_start3A_83 = arith.constant 0 : i32
      %dma_start3A_84 = tpu.memref_slice %arg3[%dma_start3A_76, %dma_start3A_77, %mul3A_24, %dma_start3A_83] : memref<8x17x512x512xi32, #tpu.memory_space<hbm>> -> memref<1x1x8x512xi32, #tpu.memory_space<hbm>>
      %dma_start3A_85 = tpu.memref_squeeze %dma_start3A_84 : memref<1x1x8x512xi32, #tpu.memory_space<hbm>> -> memref<8x512xi32, #tpu.memory_space<hbm>>
      %dma_start3A_86 = arith.constant 0 : i32
      %dma_start3A_87 = arith.constant 0 : i32
      %dma_start3A_88 = tpu.memref_slice %arg8[%dma_start3A_78, %dma_start3A_86, %dma_start3A_87] : memref<2x8x512xi32, #tpu.memory_space<vmem>> -> memref<1x8x512xi32, #tpu.memory_space<vmem>>
      %dma_start3A_89 = tpu.memref_squeeze %dma_start3A_88 : memref<1x8x512xi32, #tpu.memory_space<vmem>> -> memref<8x512xi32, #tpu.memory_space<vmem>>
      %dma_start3A_90 = arith.constant 0 : i32
      %dma_start3A_91 = tpu.memref_slice %arg3[%dma_start3A_76, %dma_start3A_77, %mul3A_24, %dma_start3A_90] : memref<8x17x512x512xi32, #tpu.memory_space<hbm>> -> memref<1x1x8x512xi32, #tpu.memory_space<hbm>>
      %dma_start3A_92 = tpu.memref_squeeze %dma_start3A_91 : memref<1x1x8x512xi32, #tpu.memory_space<hbm>> -> memref<8x512xi32, #tpu.memory_space<hbm>>
      tpu.enqueue_dma source(%dma_start3A_92 : memref<8x512xi32, #tpu.memory_space<hbm>>) target(%dma_start3A_89 : memref<8x512xi32, #tpu.memory_space<vmem>>) target_semaphore(%arg12 : memref<!tpu.dma_semaphore, #tpu.memory_space<semaphore_mem>>)
      %scan3A_93 = arith.constant 0 : i32
      %scan3A_94 = arith.constant 0 : i32
      %scan3A_95 = arith.constant 64 : i32
      %scan3A_96 = arith.addi %scan3A_94, %scan3A_95 : i32
      %scan3A_97 = arith.constant 1 : i32
      scf.for %scan3A_99 = %scan3A_94 to %scan3A_96 step %scan3A_97  : i32 {
        %mul3A_100 = arith.constant 2 : i32
        %mul3A_101 = arith.muli %scan3A_99, %mul3A_100 : i32
        %add3A_102 = arith.constant 0 : i32
        %add3A_103 = arith.addi %mul3A_101, %add3A_102 : i32
        %dma_wait3A = arith.constant 0 : i32
        %dma_wait3A_104 = arith.constant 0 : i32
        %dma_wait3A_105 = arith.constant 0 : i32
        %dma_wait3A_106 = arith.constant 0 : i32
        %dma_wait3A_107 = arith.constant 0 : i32
        %dma_wait3A_108 = tpu.memref_slice %arg7[%dma_wait3A_105, %dma_wait3A_106, %dma_wait3A_107] : memref<2x8x512xf32, #tpu.memory_space<vmem>> -> memref<1x8x512xf32, #tpu.memory_space<vmem>>
        %dma_wait3A_109 = tpu.memref_squeeze %dma_wait3A_108 : memref<1x8x512xf32, #tpu.memory_space<vmem>> -> memref<8x512xf32, #tpu.memory_space<vmem>>
        %dma_wait3A_110 = arith.constant 0 : i32
        %dma_wait3A_111 = arith.constant 0 : i32
        %dma_wait3A_112 = tpu.memref_slice %arg2[%dma_wait3A, %dma_wait3A_104, %dma_wait3A_110, %dma_wait3A_111] : memref<8x16x512x512xf32, #tpu.memory_space<hbm>> -> memref<1x1x8x512xf32, #tpu.memory_space<hbm>>
        %dma_wait3A_113 = tpu.memref_squeeze %dma_wait3A_112 : memref<1x1x8x512xf32, #tpu.memory_space<hbm>> -> memref<8x512xf32, #tpu.memory_space<hbm>>
        %dma_wait3A_114 = arith.constant 0 : i32
        %dma_wait3A_115 = arith.constant 0 : i32
        %dma_wait3A_116 = tpu.memref_slice %arg7[%dma_wait3A_105, %dma_wait3A_114, %dma_wait3A_115] : memref<2x8x512xf32, #tpu.memory_space<vmem>> -> memref<1x8x512xf32, #tpu.memory_space<vmem>>
        %dma_wait3A_117 = tpu.memref_squeeze %dma_wait3A_116 : memref<1x8x512xf32, #tpu.memory_space<vmem>> -> memref<8x512xf32, #tpu.memory_space<vmem>>
        %dma_wait3A_118 = arith.constant 0 : i32
        %dma_wait3A_119 = arith.constant 0 : i32
        %dma_wait3A_120 = tpu.memref_slice %arg2[%dma_wait3A, %dma_wait3A_104, %dma_wait3A_118, %dma_wait3A_119] : memref<8x16x512x512xf32, #tpu.memory_space<hbm>> -> memref<1x1x8x512xf32, #tpu.memory_space<hbm>>
        %dma_wait3A_121 = tpu.memref_squeeze %dma_wait3A_120 : memref<1x1x8x512xf32, #tpu.memory_space<hbm>> -> memref<8x512xf32, #tpu.memory_space<hbm>>
        tpu.wait_dma2 semaphore(%arg9 : memref<!tpu.dma_semaphore, #tpu.memory_space<semaphore_mem>>) src(%dma_wait3A_121 : memref<8x512xf32, #tpu.memory_space<hbm>>) dst(%dma_wait3A_117 : memref<8x512xf32, #tpu.memory_space<vmem>>)
        %dma_wait3A_122 = arith.constant 0 : i32
        %dma_wait3A_123 = arith.constant 0 : i32
        %dma_wait3A_124 = arith.constant 0 : i32
        %dma_wait3A_125 = arith.constant 0 : i32
        %dma_wait3A_126 = arith.constant 0 : i32
        %dma_wait3A_127 = tpu.memref_slice %arg8[%dma_wait3A_124, %dma_wait3A_125, %dma_wait3A_126] : memref<2x8x512xi32, #tpu.memory_space<vmem>> -> memref<1x8x512xi32, #tpu.memory_space<vmem>>
        %dma_wait3A_128 = tpu.memref_squeeze %dma_wait3A_127 : memref<1x8x512xi32, #tpu.memory_space<vmem>> -> memref<8x512xi32, #tpu.memory_space<vmem>>
        %dma_wait3A_129 = arith.constant 0 : i32
        %dma_wait3A_130 = arith.constant 0 : i32
        %dma_wait3A_131 = tpu.memref_slice %arg3[%dma_wait3A_122, %dma_wait3A_123, %dma_wait3A_129, %dma_wait3A_130] : memref<8x17x512x512xi32, #tpu.memory_space<hbm>> -> memref<1x1x8x512xi32, #tpu.memory_space<hbm>>
        %dma_wait3A_132 = tpu.memref_squeeze %dma_wait3A_131 : memref<1x1x8x512xi32, #tpu.memory_space<hbm>> -> memref<8x512xi32, #tpu.memory_space<hbm>>
        %dma_wait3A_133 = arith.constant 0 : i32
        %dma_wait3A_134 = arith.constant 0 : i32
        %dma_wait3A_135 = tpu.memref_slice %arg8[%dma_wait3A_124, %dma_wait3A_133, %dma_wait3A_134] : memref<2x8x512xi32, #tpu.memory_space<vmem>> -> memref<1x8x512xi32, #tpu.memory_space<vmem>>
        %dma_wait3A_136 = tpu.memref_squeeze %dma_wait3A_135 : memref<1x8x512xi32, #tpu.memory_space<vmem>> -> memref<8x512xi32, #tpu.memory_space<vmem>>
        %dma_wait3A_137 = arith.constant 0 : i32
        %dma_wait3A_138 = arith.constant 0 : i32
        %dma_wait3A_139 = tpu.memref_slice %arg3[%dma_wait3A_122, %dma_wait3A_123, %dma_wait3A_137, %dma_wait3A_138] : memref<8x17x512x512xi32, #tpu.memory_space<hbm>> -> memref<1x1x8x512xi32, #tpu.memory_space<hbm>>
        %dma_wait3A_140 = tpu.memref_squeeze %dma_wait3A_139 : memref<1x1x8x512xi32, #tpu.memory_space<hbm>> -> memref<8x512xi32, #tpu.memory_space<hbm>>
        tpu.wait_dma2 semaphore(%arg11 : memref<!tpu.dma_semaphore, #tpu.memory_space<semaphore_mem>>) src(%dma_wait3A_140 : memref<8x512xi32, #tpu.memory_space<hbm>>) dst(%dma_wait3A_136 : memref<8x512xi32, #tpu.memory_space<vmem>>)
        %parallel_loop3A = arith.constant 0 : i32
        %parallel_loop3A_141 = arith.constant 256 : i32
        %parallel_loop3A_142 = arith.constant 1 : i32
        scf.for %parallel_loop3A_199 = %parallel_loop3A to %parallel_loop3A_141 step %parallel_loop3A_142  : i32 {
          %parallel_loop3A_200 = arith.constant 5 : i32
          %parallel_loop3A_201 = arith.shrsi %parallel_loop3A_199, %parallel_loop3A_200 : i32
          %parallel_loop3A_202 = arith.constant 31 : i32
          %parallel_loop3A_203 = arith.andi %parallel_loop3A_199, %parallel_loop3A_202 : i32
          %parallel_loop3A_204 = arith.constant 16 : i32
          %parallel_loop3A_205 = arith.muli %parallel_loop3A_203, %parallel_loop3A_204 : i32
          %parallel_loop3A_206 = arith.constant 0 : i32
          %parallel_loop3A_207 = arith.index_cast %parallel_loop3A_206 : i32 to index
          %parallel_loop3A_208 = arith.index_cast %parallel_loop3A_201 : i32 to index
          %parallel_loop3A_209 = arith.index_cast %parallel_loop3A_205 : i32 to index
          %parallel_loop3A_210 = tpu.vector_load %arg7[%parallel_loop3A_207, %parallel_loop3A_208, %parallel_loop3A_209] {strides = array<i32>} : memref<2x8x512xf32, #tpu.memory_space<vmem>>, vector<16xf32>,
          %parallel_loop3A_211 = arith.constant 0 : i32
          %parallel_loop3A_212 = arith.index_cast %parallel_loop3A_211 : i32 to index
          %parallel_loop3A_213 = arith.index_cast %parallel_loop3A_201 : i32 to index
          %parallel_loop3A_214 = arith.index_cast %parallel_loop3A_205 : i32 to index
          %parallel_loop3A_215 = tpu.vector_load %arg8[%parallel_loop3A_212, %parallel_loop3A_213, %parallel_loop3A_214] {strides = array<i32>} : memref<2x8x512xi32, #tpu.memory_space<vmem>>, vector<16xi32>,
          %parallel_loop3A_216 = arith.index_cast %parallel_loop3A_201 : i32 to index
          %parallel_loop3A_217 = arith.index_cast %parallel_loop3A_205 : i32 to index
          %parallel_loop3A_218 = tpu.vector_load %arg6[%parallel_loop3A_216, %parallel_loop3A_217] {strides = array<i32>} : memref<8x512xi32, #tpu.memory_space<vmem>>, vector<16xi32>,
          %parallel_loop3A_219 = vector.bitcast %parallel_loop3A_210 : vector<16xf32> to vector<16xi32>
          %parallel_loop3A_220 = arith.constant 31 : i32
          %parallel_loop3A_221 = vector.broadcast %parallel_loop3A_220 : i32 to vector<16xi32>
          %parallel_loop3A_222 = arith.shli %parallel_loop3A_215, %parallel_loop3A_221 : vector<16xi32>
          %parallel_loop3A_223 = arith.xori %parallel_loop3A_219, %parallel_loop3A_222 : vector<16xi32>
          %parallel_loop3A_224 = vector.bitcast %parallel_loop3A_223 : vector<16xi32> to vector<16xi32>
          %parallel_loop3A_225 = arith.constant 17 : i32
          %parallel_loop3A_226 = vector.broadcast %parallel_loop3A_225 : i32 to vector<16xi32>
          %parallel_loop3A_227 = arith.shrui %parallel_loop3A_224, %parallel_loop3A_226 : vector<16xi32>
          %parallel_loop3A_228 = vector.bitcast %parallel_loop3A_227 : vector<16xi32> to vector<16xi32>
          %parallel_loop3A_229 = arith.constant 1 : i32
          %parallel_loop3A_230 = arith.andi %parallel_loop3A_199, %parallel_loop3A_229 : i32
          %parallel_loop3A_231 = arith.constant 15 : i32
          %parallel_loop3A_232 = arith.shli %parallel_loop3A_230, %parallel_loop3A_231 : i32
          %parallel_loop3A_233 = vector.broadcast %parallel_loop3A_232 : i32 to vector<16xi32>
          %parallel_loop3A_234 = arith.addi %parallel_loop3A_228, %parallel_loop3A_233 : vector<16xi32>
          %parallel_loop3A_235 = arith.constant 0 : i32
          %parallel_loop3A_236 = vector.broadcast %parallel_loop3A_235 : i32 to vector<16xi32>
          %parallel_loop3A_237 = arith.cmpi eq, %parallel_loop3A_218, %parallel_loop3A_236 : vector<16xi32>
          tpu.vector_store_idx %arg5[%parallel_loop3A_234], %broadcast_in_dim3A_3 masked %parallel_loop3A_237 {add = true} : memref<65536xi32, #tpu.memory_space<vmem>>[vector<16xi32>], vector<16xi32>, vector<16xi1>
        } {sc.loop_unroll_factor = 8 : i64, sc.parallel_access}
        %add3A_143 = arith.constant 2 : i32
        %add3A_144 = arith.addi %add3A_103, %add3A_143 : i32
        %lt3A = arith.constant 128 : i32
        %lt3A_145 = arith.cmpi slt, %add3A_144, %lt3A : i32
        %convert_element_type3A = arith.extui %lt3A_145 : i1 to i32
        %cond3A = arith.constant 0 : i32
        %cond3A_146 = arith.cmpi ne, %convert_element_type3A, %cond3A : i32
        scf.if %cond3A_146 {
          %add3A_199 = arith.constant 2 : i32
          %add3A_200 = arith.addi %add3A_103, %add3A_199 : i32
          %jit3A = arith.constant 16 : i32
          %div3A = arith.divsi %add3A_200, %jit3A : i32
          %sign3A = arith.constant 0 : i32
          %sign3A_201 = arith.cmpi sgt, %add3A_200, %sign3A : i32
          %sign3A_202 = arith.extui %sign3A_201 : i1 to i32
          %sign3A_203 = arith.constant 0 : i32
          %sign3A_204 = arith.cmpi slt, %add3A_200, %sign3A_203 : i32
          %sign3A_205 = arith.extui %sign3A_204 : i1 to i32
          %sign3A_206 = arith.subi %sign3A_202, %sign3A_205 : i32
          %sign3A_207 = arith.constant 0 : i32
          %sign3A_208 = arith.cmpi sgt, %jit3A, %sign3A_207 : i32
          %sign3A_209 = arith.extui %sign3A_208 : i1 to i32
          %sign3A_210 = arith.constant 0 : i32
          %sign3A_211 = arith.cmpi slt, %jit3A, %sign3A_210 : i32
          %sign3A_212 = arith.extui %sign3A_211 : i1 to i32
          %sign3A_213 = arith.subi %sign3A_209, %sign3A_212 : i32
          %ne3A = arith.cmpi ne, %sign3A_206, %sign3A_213 : i32
          %rem3A = arith.remsi %add3A_200, %jit3A : i32
          %ne3A_214 = arith.constant 0 : i32
          %ne3A_215 = arith.cmpi ne, %rem3A, %ne3A_214 : i32
          %and3A = arith.andi %ne3A, %ne3A_215 : i1
          %sub3A = arith.constant 1 : i32
          %sub3A_216 = arith.subi %div3A, %sub3A : i32
          %select_n3A = arith.select %and3A, %sub3A_216, %div3A : i32
          %jit3A_217 = arith.constant 16 : i32
          %eq3A = arith.constant 0 : i32
          %eq3A_218 = arith.cmpi eq, %jit3A_217, %eq3A : i32
          %jit3A_219 = arith.constant 1 : i32
          %select_n3A_220 = arith.select %eq3A_218, %jit3A_219, %jit3A_217 : i32
          %rem3A_221 = arith.remsi %add3A_200, %select_n3A_220 : i32
          %ne3A_222 = arith.constant 0 : i32
          %ne3A_223 = arith.cmpi ne, %rem3A_221, %ne3A_222 : i32
          %lt3A_224 = arith.constant 0 : i32
          %lt3A_225 = arith.cmpi slt, %rem3A_221, %lt3A_224 : i32
          %lt3A_226 = arith.constant 0 : i32
          %lt3A_227 = arith.cmpi slt, %select_n3A_220, %lt3A_226 : i32
          %ne3A_228 = arith.xori %lt3A_225, %lt3A_227 : i1
          %and3A_229 = arith.andi %ne3A_228, %ne3A_223 : i1
          %add3A_230 = arith.addi %rem3A_221, %select_n3A_220 : i32
          %select_n3A_231 = arith.select %and3A_229, %add3A_230, %rem3A_221 : i32
          %dma_start3A_232 = arith.constant 0 : i32
          %dma_start3A_233 = arith.constant 0 : i32
          %dma_start3A_234 = arith.constant 0 : i32
          %dma_start3A_235 = tpu.memref_slice %arg7[%dma_start3A_232, %dma_start3A_233, %dma_start3A_234] : memref<2x8x512xf32, #tpu.memory_space<vmem>> -> memref<1x8x512xf32, #tpu.memory_space<vmem>>
          %dma_start3A_236 = tpu.memref_squeeze %dma_start3A_235 : memref<1x8x512xf32, #tpu.memory_space<vmem>> -> memref<8x512xf32, #tpu.memory_space<vmem>>
          %dma_start3A_237 = arith.constant 0 : i32
          %dma_start3A_238 = tpu.memref_slice %arg2[%select_n3A, %select_n3A_231, %mul3A_24, %dma_start3A_237] : memref<8x16x512x512xf32, #tpu.memory_space<hbm>> -> memref<1x1x8x512xf32, #tpu.memory_space<hbm>>
          %dma_start3A_239 = tpu.memref_squeeze %dma_start3A_238 : memref<1x1x8x512xf32, #tpu.memory_space<hbm>> -> memref<8x512xf32, #tpu.memory_space<hbm>>
          %dma_start3A_240 = arith.constant 0 : i32
          %dma_start3A_241 = arith.constant 0 : i32
          %dma_start3A_242 = tpu.memref_slice %arg7[%dma_start3A_232, %dma_start3A_240, %dma_start3A_241] : memref<2x8x512xf32, #tpu.memory_space<vmem>> -> memref<1x8x512xf32, #tpu.memory_space<vmem>>
          %dma_start3A_243 = tpu.memref_squeeze %dma_start3A_242 : memref<1x8x512xf32, #tpu.memory_space<vmem>> -> memref<8x512xf32, #tpu.memory_space<vmem>>
          %dma_start3A_244 = arith.constant 0 : i32
          %dma_start3A_245 = tpu.memref_slice %arg2[%select_n3A, %select_n3A_231, %mul3A_24, %dma_start3A_244] : memref<8x16x512x512xf32, #tpu.memory_space<hbm>> -> memref<1x1x8x512xf32, #tpu.memory_space<hbm>>
          %dma_start3A_246 = tpu.memref_squeeze %dma_start3A_245 : memref<1x1x8x512xf32, #tpu.memory_space<hbm>> -> memref<8x512xf32, #tpu.memory_space<hbm>>
          tpu.enqueue_dma source(%dma_start3A_246 : memref<8x512xf32, #tpu.memory_space<hbm>>) target(%dma_start3A_243 : memref<8x512xf32, #tpu.memory_space<vmem>>) target_semaphore(%arg9 : memref<!tpu.dma_semaphore, #tpu.memory_space<semaphore_mem>>)
          %add3A_247 = arith.constant 1 : i32
          %add3A_248 = arith.addi %select_n3A_231, %add3A_247 : i32
          %dma_start3A_249 = arith.constant 0 : i32
          %dma_start3A_250 = arith.constant 0 : i32
          %dma_start3A_251 = arith.constant 0 : i32
          %dma_start3A_252 = tpu.memref_slice %arg8[%dma_start3A_249, %dma_start3A_250, %dma_start3A_251] : memref<2x8x512xi32, #tpu.memory_space<vmem>> -> memref<1x8x512xi32, #tpu.memory_space<vmem>>
          %dma_start3A_253 = tpu.memref_squeeze %dma_start3A_252 : memref<1x8x512xi32, #tpu.memory_space<vmem>> -> memref<8x512xi32, #tpu.memory_space<vmem>>
          %dma_start3A_254 = arith.constant 0 : i32
          %dma_start3A_255 = tpu.memref_slice %arg3[%select_n3A, %add3A_248, %mul3A_24, %dma_start3A_254] : memref<8x17x512x512xi32, #tpu.memory_space<hbm>> -> memref<1x1x8x512xi32, #tpu.memory_space<hbm>>
          %dma_start3A_256 = tpu.memref_squeeze %dma_start3A_255 : memref<1x1x8x512xi32, #tpu.memory_space<hbm>> -> memref<8x512xi32, #tpu.memory_space<hbm>>
          %dma_start3A_257 = arith.constant 0 : i32
          %dma_start3A_258 = arith.constant 0 : i32
          %dma_start3A_259 = tpu.memref_slice %arg8[%dma_start3A_249, %dma_start3A_257, %dma_start3A_258] : memref<2x8x512xi32, #tpu.memory_space<vmem>> -> memref<1x8x512xi32, #tpu.memory_space<vmem>>
          %dma_start3A_260 = tpu.memref_squeeze %dma_start3A_259 : memref<1x8x512xi32, #tpu.memory_space<vmem>> -> memref<8x512xi32, #tpu.memory_space<vmem>>
          %dma_start3A_261 = arith.constant 0 : i32
          %dma_start3A_262 = tpu.memref_slice %arg3[%select_n3A, %add3A_248, %mul3A_24, %dma_start3A_261] : memref<8x17x512x512xi32, #tpu.memory_space<hbm>> -> memref<1x1x8x512xi32, #tpu.memory_space<hbm>>
          %dma_start3A_263 = tpu.memref_squeeze %dma_start3A_262 : memref<1x1x8x512xi32, #tpu.memory_space<hbm>> -> memref<8x512xi32, #tpu.memory_space<hbm>>
          tpu.enqueue_dma source(%dma_start3A_263 : memref<8x512xi32, #tpu.memory_space<hbm>>) target(%dma_start3A_260 : memref<8x512xi32, #tpu.memory_space<vmem>>) target_semaphore(%arg11 : memref<!tpu.dma_semaphore, #tpu.memory_space<semaphore_mem>>)
        } else {
        }
        %mul3A_147 = arith.constant 2 : i32
        %mul3A_148 = arith.muli %scan3A_99, %mul3A_147 : i32
        %add3A_149 = arith.constant 1 : i32
        %add3A_150 = arith.addi %mul3A_148, %add3A_149 : i32
        %dma_wait3A_151 = arith.constant 0 : i32
        %dma_wait3A_152 = arith.constant 0 : i32
        %dma_wait3A_153 = arith.constant 1 : i32
        %dma_wait3A_154 = arith.constant 0 : i32
        %dma_wait3A_155 = arith.constant 0 : i32
        %dma_wait3A_156 = tpu.memref_slice %arg7[%dma_wait3A_153, %dma_wait3A_154, %dma_wait3A_155] : memref<2x8x512xf32, #tpu.memory_space<vmem>> -> memref<1x8x512xf32, #tpu.memory_space<vmem>>
        %dma_wait3A_157 = tpu.memref_squeeze %dma_wait3A_156 : memref<1x8x512xf32, #tpu.memory_space<vmem>> -> memref<8x512xf32, #tpu.memory_space<vmem>>
        %dma_wait3A_158 = arith.constant 0 : i32
        %dma_wait3A_159 = arith.constant 0 : i32
        %dma_wait3A_160 = tpu.memref_slice %arg2[%dma_wait3A_151, %dma_wait3A_152, %dma_wait3A_158, %dma_wait3A_159] : memref<8x16x512x512xf32, #tpu.memory_space<hbm>> -> memref<1x1x8x512xf32, #tpu.memory_space<hbm>>
        %dma_wait3A_161 = tpu.memref_squeeze %dma_wait3A_160 : memref<1x1x8x512xf32, #tpu.memory_space<hbm>> -> memref<8x512xf32, #tpu.memory_space<hbm>>
        %dma_wait3A_162 = arith.constant 0 : i32
        %dma_wait3A_163 = arith.constant 0 : i32
        %dma_wait3A_164 = tpu.memref_slice %arg7[%dma_wait3A_153, %dma_wait3A_162, %dma_wait3A_163] : memref<2x8x512xf32, #tpu.memory_space<vmem>> -> memref<1x8x512xf32, #tpu.memory_space<vmem>>
        %dma_wait3A_165 = tpu.memref_squeeze %dma_wait3A_164 : memref<1x8x512xf32, #tpu.memory_space<vmem>> -> memref<8x512xf32, #tpu.memory_space<vmem>>
        %dma_wait3A_166 = arith.constant 0 : i32
        %dma_wait3A_167 = arith.constant 0 : i32
        %dma_wait3A_168 = tpu.memref_slice %arg2[%dma_wait3A_151, %dma_wait3A_152, %dma_wait3A_166, %dma_wait3A_167] : memref<8x16x512x512xf32, #tpu.memory_space<hbm>> -> memref<1x1x8x512xf32, #tpu.memory_space<hbm>>
        %dma_wait3A_169 = tpu.memref_squeeze %dma_wait3A_168 : memref<1x1x8x512xf32, #tpu.memory_space<hbm>> -> memref<8x512xf32, #tpu.memory_space<hbm>>
        tpu.wait_dma2 semaphore(%arg10 : memref<!tpu.dma_semaphore, #tpu.memory_space<semaphore_mem>>) src(%dma_wait3A_169 : memref<8x512xf32, #tpu.memory_space<hbm>>) dst(%dma_wait3A_165 : memref<8x512xf32, #tpu.memory_space<vmem>>)
        %dma_wait3A_170 = arith.constant 0 : i32
        %dma_wait3A_171 = arith.constant 0 : i32
        %dma_wait3A_172 = arith.constant 1 : i32
        %dma_wait3A_173 = arith.constant 0 : i32
        %dma_wait3A_174 = arith.constant 0 : i32
        %dma_wait3A_175 = tpu.memref_slice %arg8[%dma_wait3A_172, %dma_wait3A_173, %dma_wait3A_174] : memref<2x8x512xi32, #tpu.memory_space<vmem>> -> memref<1x8x512xi32, #tpu.memory_space<vmem>>
        %dma_wait3A_176 = tpu.memref_squeeze %dma_wait3A_175 : memref<1x8x512xi32, #tpu.memory_space<vmem>> -> memref<8x512xi32, #tpu.memory_space<vmem>>
        %dma_wait3A_177 = arith.constant 0 : i32
        %dma_wait3A_178 = arith.constant 0 : i32
        %dma_wait3A_179 = tpu.memref_slice %arg3[%dma_wait3A_170, %dma_wait3A_171, %dma_wait3A_177, %dma_wait3A_178] : memref<8x17x512x512xi32, #tpu.memory_space<hbm>> -> memref<1x1x8x512xi32, #tpu.memory_space<hbm>>
        %dma_wait3A_180 = tpu.memref_squeeze %dma_wait3A_179 : memref<1x1x8x512xi32, #tpu.memory_space<hbm>> -> memref<8x512xi32, #tpu.memory_space<hbm>>
        %dma_wait3A_181 = arith.constant 0 : i32
        %dma_wait3A_182 = arith.constant 0 : i32
        %dma_wait3A_183 = tpu.memref_slice %arg8[%dma_wait3A_172, %dma_wait3A_181, %dma_wait3A_182] : memref<2x8x512xi32, #tpu.memory_space<vmem>> -> memref<1x8x512xi32, #tpu.memory_space<vmem>>
        %dma_wait3A_184 = tpu.memref_squeeze %dma_wait3A_183 : memref<1x8x512xi32, #tpu.memory_space<vmem>> -> memref<8x512xi32, #tpu.memory_space<vmem>>
        %dma_wait3A_185 = arith.constant 0 : i32
        %dma_wait3A_186 = arith.constant 0 : i32
        %dma_wait3A_187 = tpu.memref_slice %arg3[%dma_wait3A_170, %dma_wait3A_171, %dma_wait3A_185, %dma_wait3A_186] : memref<8x17x512x512xi32, #tpu.memory_space<hbm>> -> memref<1x1x8x512xi32, #tpu.memory_space<hbm>>
        %dma_wait3A_188 = tpu.memref_squeeze %dma_wait3A_187 : memref<1x1x8x512xi32, #tpu.memory_space<hbm>> -> memref<8x512xi32, #tpu.memory_space<hbm>>
        tpu.wait_dma2 semaphore(%arg12 : memref<!tpu.dma_semaphore, #tpu.memory_space<semaphore_mem>>) src(%dma_wait3A_188 : memref<8x512xi32, #tpu.memory_space<hbm>>) dst(%dma_wait3A_184 : memref<8x512xi32, #tpu.memory_space<vmem>>)
        %parallel_loop3A_189 = arith.constant 0 : i32
        %parallel_loop3A_190 = arith.constant 256 : i32
        %parallel_loop3A_191 = arith.constant 1 : i32
        scf.for %parallel_loop3A_199 = %parallel_loop3A_189 to %parallel_loop3A_190 step %parallel_loop3A_191  : i32 {
          %parallel_loop3A_200 = arith.constant 5 : i32
          %parallel_loop3A_201 = arith.shrsi %parallel_loop3A_199, %parallel_loop3A_200 : i32
          %parallel_loop3A_202 = arith.constant 31 : i32
          %parallel_loop3A_203 = arith.andi %parallel_loop3A_199, %parallel_loop3A_202 : i32
          %parallel_loop3A_204 = arith.constant 16 : i32
          %parallel_loop3A_205 = arith.muli %parallel_loop3A_203, %parallel_loop3A_204 : i32
          %parallel_loop3A_206 = arith.constant 1 : i32
          %parallel_loop3A_207 = arith.index_cast %parallel_loop3A_206 : i32 to index
          %parallel_loop3A_208 = arith.index_cast %parallel_loop3A_201 : i32 to index
          %parallel_loop3A_209 = arith.index_cast %parallel_loop3A_205 : i32 to index
          %parallel_loop3A_210 = tpu.vector_load %arg7[%parallel_loop3A_207, %parallel_loop3A_208, %parallel_loop3A_209] {strides = array<i32>} : memref<2x8x512xf32, #tpu.memory_space<vmem>>, vector<16xf32>,
          %parallel_loop3A_211 = arith.constant 1 : i32
          %parallel_loop3A_212 = arith.index_cast %parallel_loop3A_211 : i32 to index
          %parallel_loop3A_213 = arith.index_cast %parallel_loop3A_201 : i32 to index
          %parallel_loop3A_214 = arith.index_cast %parallel_loop3A_205 : i32 to index
          %parallel_loop3A_215 = tpu.vector_load %arg8[%parallel_loop3A_212, %parallel_loop3A_213, %parallel_loop3A_214] {strides = array<i32>} : memref<2x8x512xi32, #tpu.memory_space<vmem>>, vector<16xi32>,
          %parallel_loop3A_216 = arith.index_cast %parallel_loop3A_201 : i32 to index
          %parallel_loop3A_217 = arith.index_cast %parallel_loop3A_205 : i32 to index
          %parallel_loop3A_218 = tpu.vector_load %arg6[%parallel_loop3A_216, %parallel_loop3A_217] {strides = array<i32>} : memref<8x512xi32, #tpu.memory_space<vmem>>, vector<16xi32>,
          %parallel_loop3A_219 = vector.bitcast %parallel_loop3A_210 : vector<16xf32> to vector<16xi32>
          %parallel_loop3A_220 = arith.constant 31 : i32
          %parallel_loop3A_221 = vector.broadcast %parallel_loop3A_220 : i32 to vector<16xi32>
          %parallel_loop3A_222 = arith.shli %parallel_loop3A_215, %parallel_loop3A_221 : vector<16xi32>
          %parallel_loop3A_223 = arith.xori %parallel_loop3A_219, %parallel_loop3A_222 : vector<16xi32>
          %parallel_loop3A_224 = vector.bitcast %parallel_loop3A_223 : vector<16xi32> to vector<16xi32>
          %parallel_loop3A_225 = arith.constant 17 : i32
          %parallel_loop3A_226 = vector.broadcast %parallel_loop3A_225 : i32 to vector<16xi32>
          %parallel_loop3A_227 = arith.shrui %parallel_loop3A_224, %parallel_loop3A_226 : vector<16xi32>
          %parallel_loop3A_228 = vector.bitcast %parallel_loop3A_227 : vector<16xi32> to vector<16xi32>
          %parallel_loop3A_229 = arith.constant 1 : i32
          %parallel_loop3A_230 = arith.andi %parallel_loop3A_199, %parallel_loop3A_229 : i32
          %parallel_loop3A_231 = arith.constant 15 : i32
          %parallel_loop3A_232 = arith.shli %parallel_loop3A_230, %parallel_loop3A_231 : i32
          %parallel_loop3A_233 = vector.broadcast %parallel_loop3A_232 : i32 to vector<16xi32>
          %parallel_loop3A_234 = arith.addi %parallel_loop3A_228, %parallel_loop3A_233 : vector<16xi32>
          %parallel_loop3A_235 = arith.constant 0 : i32
          %parallel_loop3A_236 = vector.broadcast %parallel_loop3A_235 : i32 to vector<16xi32>
          %parallel_loop3A_237 = arith.cmpi eq, %parallel_loop3A_218, %parallel_loop3A_236 : vector<16xi32>
          tpu.vector_store_idx %arg5[%parallel_loop3A_234], %broadcast_in_dim3A_3 masked %parallel_loop3A_237 {add = true} : memref<65536xi32, #tpu.memory_space<vmem>>[vector<16xi32>], vector<16xi32>, vector<16xi1>
        } {sc.loop_unroll_factor = 8 : i64, sc.parallel_access}
        %add3A_192 = arith.constant 2 : i32
        %add3A_193 = arith.addi %add3A_150, %add3A_192 : i32
        %lt3A_194 = arith.constant 128 : i32
        %lt3A_195 = arith.cmpi slt, %add3A_193, %lt3A_194 : i32
        %convert_element_type3A_196 = arith.extui %lt3A_195 : i1 to i32
        %cond3A_197 = arith.constant 0 : i32
        %cond3A_198 = arith.cmpi ne, %convert_element_type3A_196, %cond3A_197 : i32
        scf.if %cond3A_198 {
          %add3A_199 = arith.constant 2 : i32
          %add3A_200 = arith.addi %add3A_150, %add3A_199 : i32
          %jit3A = arith.constant 16 : i32
          %div3A = arith.divsi %add3A_200, %jit3A : i32
          %sign3A = arith.constant 0 : i32
          %sign3A_201 = arith.cmpi sgt, %add3A_200, %sign3A : i32
          %sign3A_202 = arith.extui %sign3A_201 : i1 to i32
          %sign3A_203 = arith.constant 0 : i32
          %sign3A_204 = arith.cmpi slt, %add3A_200, %sign3A_203 : i32
          %sign3A_205 = arith.extui %sign3A_204 : i1 to i32
          %sign3A_206 = arith.subi %sign3A_202, %sign3A_205 : i32
          %sign3A_207 = arith.constant 0 : i32
          %sign3A_208 = arith.cmpi sgt, %jit3A, %sign3A_207 : i32
          %sign3A_209 = arith.extui %sign3A_208 : i1 to i32
          %sign3A_210 = arith.constant 0 : i32
          %sign3A_211 = arith.cmpi slt, %jit3A, %sign3A_210 : i32
          %sign3A_212 = arith.extui %sign3A_211 : i1 to i32
          %sign3A_213 = arith.subi %sign3A_209, %sign3A_212 : i32
          %ne3A = arith.cmpi ne, %sign3A_206, %sign3A_213 : i32
          %rem3A = arith.remsi %add3A_200, %jit3A : i32
          %ne3A_214 = arith.constant 0 : i32
          %ne3A_215 = arith.cmpi ne, %rem3A, %ne3A_214 : i32
          %and3A = arith.andi %ne3A, %ne3A_215 : i1
          %sub3A = arith.constant 1 : i32
          %sub3A_216 = arith.subi %div3A, %sub3A : i32
          %select_n3A = arith.select %and3A, %sub3A_216, %div3A : i32
          %jit3A_217 = arith.constant 16 : i32
          %eq3A = arith.constant 0 : i32
          %eq3A_218 = arith.cmpi eq, %jit3A_217, %eq3A : i32
          %jit3A_219 = arith.constant 1 : i32
          %select_n3A_220 = arith.select %eq3A_218, %jit3A_219, %jit3A_217 : i32
          %rem3A_221 = arith.remsi %add3A_200, %select_n3A_220 : i32
          %ne3A_222 = arith.constant 0 : i32
          %ne3A_223 = arith.cmpi ne, %rem3A_221, %ne3A_222 : i32
          %lt3A_224 = arith.constant 0 : i32
          %lt3A_225 = arith.cmpi slt, %rem3A_221, %lt3A_224 : i32
          %lt3A_226 = arith.constant 0 : i32
          %lt3A_227 = arith.cmpi slt, %select_n3A_220, %lt3A_226 : i32
          %ne3A_228 = arith.xori %lt3A_225, %lt3A_227 : i1
          %and3A_229 = arith.andi %ne3A_228, %ne3A_223 : i1
          %add3A_230 = arith.addi %rem3A_221, %select_n3A_220 : i32
          %select_n3A_231 = arith.select %and3A_229, %add3A_230, %rem3A_221 : i32
          %dma_start3A_232 = arith.constant 1 : i32
          %dma_start3A_233 = arith.constant 0 : i32
          %dma_start3A_234 = arith.constant 0 : i32
          %dma_start3A_235 = tpu.memref_slice %arg7[%dma_start3A_232, %dma_start3A_233, %dma_start3A_234] : memref<2x8x512xf32, #tpu.memory_space<vmem>> -> memref<1x8x512xf32, #tpu.memory_space<vmem>>
          %dma_start3A_236 = tpu.memref_squeeze %dma_start3A_235 : memref<1x8x512xf32, #tpu.memory_space<vmem>> -> memref<8x512xf32, #tpu.memory_space<vmem>>
          %dma_start3A_237 = arith.constant 0 : i32
          %dma_start3A_238 = tpu.memref_slice %arg2[%select_n3A, %select_n3A_231, %mul3A_24, %dma_start3A_237] : memref<8x16x512x512xf32, #tpu.memory_space<hbm>> -> memref<1x1x8x512xf32, #tpu.memory_space<hbm>>
          %dma_start3A_239 = tpu.memref_squeeze %dma_start3A_238 : memref<1x1x8x512xf32, #tpu.memory_space<hbm>> -> memref<8x512xf32, #tpu.memory_space<hbm>>
          %dma_start3A_240 = arith.constant 0 : i32
          %dma_start3A_241 = arith.constant 0 : i32
          %dma_start3A_242 = tpu.memref_slice %arg7[%dma_start3A_232, %dma_start3A_240, %dma_start3A_241] : memref<2x8x512xf32, #tpu.memory_space<vmem>> -> memref<1x8x512xf32, #tpu.memory_space<vmem>>
          %dma_start3A_243 = tpu.memref_squeeze %dma_start3A_242 : memref<1x8x512xf32, #tpu.memory_space<vmem>> -> memref<8x512xf32, #tpu.memory_space<vmem>>
          %dma_start3A_244 = arith.constant 0 : i32
          %dma_start3A_245 = tpu.memref_slice %arg2[%select_n3A, %select_n3A_231, %mul3A_24, %dma_start3A_244] : memref<8x16x512x512xf32, #tpu.memory_space<hbm>> -> memref<1x1x8x512xf32, #tpu.memory_space<hbm>>
          %dma_start3A_246 = tpu.memref_squeeze %dma_start3A_245 : memref<1x1x8x512xf32, #tpu.memory_space<hbm>> -> memref<8x512xf32, #tpu.memory_space<hbm>>
          tpu.enqueue_dma source(%dma_start3A_246 : memref<8x512xf32, #tpu.memory_space<hbm>>) target(%dma_start3A_243 : memref<8x512xf32, #tpu.memory_space<vmem>>) target_semaphore(%arg10 : memref<!tpu.dma_semaphore, #tpu.memory_space<semaphore_mem>>)
          %add3A_247 = arith.constant 1 : i32
          %add3A_248 = arith.addi %select_n3A_231, %add3A_247 : i32
          %dma_start3A_249 = arith.constant 1 : i32
          %dma_start3A_250 = arith.constant 0 : i32
          %dma_start3A_251 = arith.constant 0 : i32
          %dma_start3A_252 = tpu.memref_slice %arg8[%dma_start3A_249, %dma_start3A_250, %dma_start3A_251] : memref<2x8x512xi32, #tpu.memory_space<vmem>> -> memref<1x8x512xi32, #tpu.memory_space<vmem>>
          %dma_start3A_253 = tpu.memref_squeeze %dma_start3A_252 : memref<1x8x512xi32, #tpu.memory_space<vmem>> -> memref<8x512xi32, #tpu.memory_space<vmem>>
          %dma_start3A_254 = arith.constant 0 : i32
          %dma_start3A_255 = tpu.memref_slice %arg3[%select_n3A, %add3A_248, %mul3A_24, %dma_start3A_254] : memref<8x17x512x512xi32, #tpu.memory_space<hbm>> -> memref<1x1x8x512xi32, #tpu.memory_space<hbm>>
          %dma_start3A_256 = tpu.memref_squeeze %dma_start3A_255 : memref<1x1x8x512xi32, #tpu.memory_space<hbm>> -> memref<8x512xi32, #tpu.memory_space<hbm>>
          %dma_start3A_257 = arith.constant 0 : i32
          %dma_start3A_258 = arith.constant 0 : i32
          %dma_start3A_259 = tpu.memref_slice %arg8[%dma_start3A_249, %dma_start3A_257, %dma_start3A_258] : memref<2x8x512xi32, #tpu.memory_space<vmem>> -> memref<1x8x512xi32, #tpu.memory_space<vmem>>
          %dma_start3A_260 = tpu.memref_squeeze %dma_start3A_259 : memref<1x8x512xi32, #tpu.memory_space<vmem>> -> memref<8x512xi32, #tpu.memory_space<vmem>>
          %dma_start3A_261 = arith.constant 0 : i32
          %dma_start3A_262 = tpu.memref_slice %arg3[%select_n3A, %add3A_248, %mul3A_24, %dma_start3A_261] : memref<8x17x512x512xi32, #tpu.memory_space<hbm>> -> memref<1x1x8x512xi32, #tpu.memory_space<hbm>>
          %dma_start3A_263 = tpu.memref_squeeze %dma_start3A_262 : memref<1x1x8x512xi32, #tpu.memory_space<hbm>> -> memref<8x512xi32, #tpu.memory_space<hbm>>
          tpu.enqueue_dma source(%dma_start3A_263 : memref<8x512xi32, #tpu.memory_space<hbm>>) target(%dma_start3A_260 : memref<8x512xi32, #tpu.memory_space<vmem>>) target_semaphore(%arg12 : memref<!tpu.dma_semaphore, #tpu.memory_space<semaphore_mem>>)
        } else {
        }
      }
      %scan3A_98 = arith.constant 64 : i32
    }
    %scan3A_14 = arith.constant 2 : i32
    %mul3A_15 = arith.constant 2 : i32
    %mul3A_16 = arith.muli %add3A, %mul3A_15 : i32
    %mul3A_17 = arith.constant 32768 : i32
    %mul3A_18 = arith.muli %mul3A_16, %mul3A_17 : i32
    "tpu.region"() ({
      %run_scoped3A = tpu.sem_alloc : memref<!tpu.dma_semaphore, #tpu.memory_space<semaphore_mem>>
      %dma_start3A = tpu.memref_slice %arg4[%mul3A_18] : memref<2097152xi32, #tpu.memory_space<hbm>> -> memref<65536xi32, #tpu.memory_space<hbm>>
      %dma_start3A_19 = tpu.memref_slice %arg4[%mul3A_18] : memref<2097152xi32, #tpu.memory_space<hbm>> -> memref<65536xi32, #tpu.memory_space<hbm>>
      tpu.enqueue_dma source(%arg5 : memref<65536xi32, #tpu.memory_space<vmem>>) target(%dma_start3A_19 : memref<65536xi32, #tpu.memory_space<hbm>>) target_semaphore(%run_scoped3A : memref<!tpu.dma_semaphore, #tpu.memory_space<semaphore_mem>>)
      %dma_wait3A = tpu.memref_slice %arg4[%mul3A_18] : memref<2097152xi32, #tpu.memory_space<hbm>> -> memref<65536xi32, #tpu.memory_space<hbm>>
      %dma_wait3A_20 = tpu.memref_slice %arg4[%mul3A_18] : memref<2097152xi32, #tpu.memory_space<hbm>> -> memref<65536xi32, #tpu.memory_space<hbm>>
      tpu.wait_dma2 semaphore(%run_scoped3A : memref<!tpu.dma_semaphore, #tpu.memory_space<semaphore_mem>>) src(%arg5 : memref<65536xi32, #tpu.memory_space<vmem>>) dst(%dma_wait3A_20 : memref<65536xi32, #tpu.memory_space<hbm>>)
      tpu.yield
    }) : () -> ()
    return
  }
}

module attributes {stable_mosaic.version = 14 : i64} {
  func.func @_tc_stats_body(%arg0: i32, %arg1: i32, %arg2: memref<2xi32, #tpu.memory_space<smem>>, %arg3: memref<1x1x512x512xf32, #tpu.memory_space<vmem>>, %arg4: memref<1x1x512x512xi32, #tpu.memory_space<vmem>>, %arg5: memref<512x512xi32, #tpu.memory_space<hbm>>, %arg6: memref<1x1xf32, #tpu.memory_space<smem>>, %arg7: memref<1x1xi32, #tpu.memory_space<smem>>, %arg8: memref<512x512xi32, #tpu.memory_space<vmem>>, %arg9: memref<!tpu.dma_semaphore, #tpu.memory_space<semaphore_mem>>) attributes {dimension_semantics = [#tpu.dimension_semantics<arbitrary>, #tpu.dimension_semantics<arbitrary>], iteration_bounds = array<i64: 8, 16>, scalar_prefetch = 0 : i64, scratch_operands = 2 : i64, tpu.core_type = #tpu.core_type<tc>, window_params = [{transform_indices = @transform_0, window_bounds = array<i64: 2>}, {transform_indices = @transform_1, window_bounds = array<i64: 1, 1, 512, 512>}, {transform_indices = @transform_2, window_bounds = array<i64: 1, 1, 512, 512>}, {}, {transform_indices = @transform_4, window_bounds = array<i64: 1, 1>}, {transform_indices = @transform_5, window_bounds = array<i64: 1, 1>}]} {
    %eq3A = arith.constant 0 : i32
    %eq3A_0 = arith.cmpi eq, %arg0, %eq3A : i32
    %eq3A_1 = arith.constant 0 : i32
    %eq3A_2 = arith.cmpi eq, %arg1, %eq3A_1 : i32
    %and3A = arith.andi %eq3A_0, %eq3A_2 : i1
    %convert_element_type3A = arith.extui %and3A : i1 to i32
    %cond3A = arith.constant 0 : i32
    %cond3A_3 = arith.cmpi ne, %convert_element_type3A, %cond3A : i32
    scf.if %cond3A_3 {
      %swap3A_61 = arith.constant 0.000000e+00 : f32
      %swap3A_62 = arith.constant 0 : index
      %swap3A_63 = arith.constant 0 : index
      %swap3A_64 = memref.load %arg6[%swap3A_62, %swap3A_63] : memref<1x1xf32, #tpu.memory_space<smem>>
      memref.store %swap3A_61, %arg6[%swap3A_62, %swap3A_63] : memref<1x1xf32, #tpu.memory_space<smem>>
      %swap3A_65 = arith.constant 0 : i32
      %swap3A_66 = arith.constant 0 : index
      %swap3A_67 = arith.constant 0 : index
      %swap3A_68 = memref.load %arg7[%swap3A_66, %swap3A_67] : memref<1x1xi32, #tpu.memory_space<smem>>
      memref.store %swap3A_65, %arg7[%swap3A_66, %swap3A_67] : memref<1x1xi32, #tpu.memory_space<smem>>
      tpu.enqueue_dma source(%arg5 : memref<512x512xi32, #tpu.memory_space<hbm>>) target(%arg8 : memref<512x512xi32, #tpu.memory_space<vmem>>) target_semaphore(%arg9 : memref<!tpu.dma_semaphore, #tpu.memory_space<semaphore_mem>>)
      tpu.wait_dma2 semaphore(%arg9 : memref<!tpu.dma_semaphore, #tpu.memory_space<semaphore_mem>>) src(%arg5 : memref<512x512xi32, #tpu.memory_space<hbm>>) dst(%arg8 : memref<512x512xi32, #tpu.memory_space<vmem>>)
    } else {
    }
    %get3A = arith.constant 0 : index
    %get3A_4 = arith.constant 0 : index
    %get3A_5 = arith.constant 0 : index
    %get3A_6 = arith.constant 0 : index
    %get3A_7 = vector.load %arg3[%get3A, %get3A_4, %get3A_5, %get3A_6] : memref<1x1x512x512xf32, #tpu.memory_space<vmem>>, vector<1x1x512x512xf32>
    %get3A_8 = vector.shape_cast %get3A_7 : vector<1x1x512x512xf32> to vector<512x512xf32>
    %get3A_9 = arith.constant 0 : index
    %get3A_10 = arith.constant 0 : index
    %get3A_11 = arith.constant 0 : index
    %get3A_12 = arith.constant 0 : index
    %get3A_13 = vector.load %arg4[%get3A_9, %get3A_10, %get3A_11, %get3A_12] : memref<1x1x512x512xi32, #tpu.memory_space<vmem>>, vector<1x1x512x512xi32>
    %get3A_14 = vector.shape_cast %get3A_13 : vector<1x1x512x512xi32> to vector<512x512xi32>
    %get3A_15 = arith.constant 0 : index
    %get3A_16 = arith.constant 0 : index
    %get3A_17 = vector.load %arg8[%get3A_15, %get3A_16] : memref<512x512xi32, #tpu.memory_space<vmem>>, vector<512x512xi32>
    %bitcast_convert_type3A = tpu.bitcast %get3A_8 : vector<512x512xf32> -> vector<512x512xi32>
    %shift_left3A = arith.constant 31 : i32
    %shift_left3A_18 = vector.broadcast %shift_left3A : i32 to vector<512x512xi32>
    %shift_left3A_19 = arith.shli %get3A_14, %shift_left3A_18 : vector<512x512xi32>
    %xor3A = arith.xori %bitcast_convert_type3A, %shift_left3A_19 : vector<512x512xi32>
    %bitcast_convert_type3A_20 = tpu.bitcast %xor3A : vector<512x512xi32> -> vector<512x512xf32>
    %shift_right_arithmetic3A = arith.constant 31 : i32
    %shift_right_arithmetic3A_21 = vector.broadcast %shift_right_arithmetic3A : i32 to vector<512x512xi32>
    %shift_right_arithmetic3A_22 = arith.shrsi %xor3A, %shift_right_arithmetic3A_21 : vector<512x512xi32>
    %and3A_23 = arith.constant 2147483647 : i32
    %and3A_24 = vector.broadcast %and3A_23 : i32 to vector<512x512xi32>
    %and3A_25 = arith.andi %shift_right_arithmetic3A_22, %and3A_24 : vector<512x512xi32>
    %xor3A_26 = arith.xori %xor3A, %and3A_25 : vector<512x512xi32>
    %eq3A_27 = arith.constant 0 : i32
    %eq3A_28 = vector.broadcast %eq3A_27 : i32 to vector<512x512xi32>
    %eq3A_29 = arith.cmpi eq, %get3A_17, %eq3A_28 : vector<512x512xi32>
    %get3A_30 = arith.constant 0 : index
    %get3A_31 = memref.load %arg2[%get3A_30] : memref<2xi32, #tpu.memory_space<smem>>
    %ge3A = vector.broadcast %get3A_31 : i32 to vector<512x512xi32>
    %ge3A_32 = arith.cmpi sge, %xor3A_26, %ge3A : vector<512x512xi32>
    %and3A_33 = arith.andi %eq3A_29, %ge3A_32 : vector<512x512xi1>
    %max3A = arith.constant 0.000000e+00 : f32
    %max3A_34 = vector.broadcast %max3A : f32 to vector<512x512xf32>
    %max3A_35 = arith.maximumf %bitcast_convert_type3A_20, %max3A_34 : vector<512x512xf32>
    %abs3A = math.absf %bitcast_convert_type3A_20 : vector<512x512xf32>
    %neg3A = arith.constant 0.000000e+00 : f32
    %neg3A_36 = vector.broadcast %neg3A : f32 to vector<512x512xf32>
    %neg3A_37 = arith.subf %neg3A_36, %abs3A : vector<512x512xf32>
    %exp3A = math.exp %neg3A_37 : vector<512x512xf32>
    %log1p3A = math.log1p %exp3A : vector<512x512xf32>
    %add3A = arith.addf %max3A_35, %log1p3A : vector<512x512xf32>
    %get3A_38 = arith.constant 0 : index
    %get3A_39 = arith.constant 0 : index
    %get3A_40 = memref.load %arg6[%get3A_38, %get3A_39] : memref<1x1xf32, #tpu.memory_space<smem>>
    %jit3A = arith.constant 0.000000e+00 : f32
    %broadcast_in_dim3A = vector.broadcast %jit3A : f32 to vector<512x512xf32>
    %select_n3A = arith.select %and3A_33, %add3A, %broadcast_in_dim3A : vector<512x512xi1>, vector<512x512xf32>
    %reduce_sum3A = vector.shape_cast %select_n3A : vector<512x512xf32> to vector<1x512x512xf32>
    %reduce_sum3A_41 = arith.constant dense<0.000000e+00> : vector<1xf32>
    %reduce_sum3A_42 = vector.multi_reduction <add>, %reduce_sum3A, %reduce_sum3A_41 [1, 2] : vector<1x512x512xf32> to vector<1xf32>
    %reduce_sum3A_43 = vector.shape_cast %reduce_sum3A_42 : vector<1xf32> to vector<1x1x1xf32>
    %reduce_sum3A_44 = vector.extract %reduce_sum3A_43[0, 0, 0] : f32 from vector<1x1x1xf32>
    %add3A_45 = arith.addf %get3A_40, %reduce_sum3A_44 : f32
    %swap3A = arith.constant 0 : index
    %swap3A_46 = arith.constant 0 : index
    %swap3A_47 = memref.load %arg6[%swap3A, %swap3A_46] : memref<1x1xf32, #tpu.memory_space<smem>>
    memref.store %add3A_45, %arg6[%swap3A, %swap3A_46] : memref<1x1xf32, #tpu.memory_space<smem>>
    %get3A_48 = arith.constant 0 : index
    %get3A_49 = arith.constant 0 : index
    %get3A_50 = memref.load %arg7[%get3A_48, %get3A_49] : memref<1x1xi32, #tpu.memory_space<smem>>
    %convert_element_type3A_51 = arith.extui %and3A_33 : vector<512x512xi1> to vector<512x512xi32>
    %reduce_sum3A_52 = vector.shape_cast %convert_element_type3A_51 : vector<512x512xi32> to vector<1x512x512xi32>
    %reduce_sum3A_53 = arith.constant dense<0> : vector<1xi32>
    %reduce_sum3A_54 = vector.multi_reduction <add>, %reduce_sum3A_52, %reduce_sum3A_53 [1, 2] : vector<1x512x512xi32> to vector<1xi32>
    %reduce_sum3A_55 = vector.shape_cast %reduce_sum3A_54 : vector<1xi32> to vector<1x1x1xi32>
    %reduce_sum3A_56 = vector.extract %reduce_sum3A_55[0, 0, 0] : i32 from vector<1x1x1xi32>
    %add3A_57 = arith.addi %get3A_50, %reduce_sum3A_56 : i32
    %swap3A_58 = arith.constant 0 : index
    %swap3A_59 = arith.constant 0 : index
    %swap3A_60 = memref.load %arg7[%swap3A_58, %swap3A_59] : memref<1x1xi32, #tpu.memory_space<smem>>
    memref.store %add3A_57, %arg7[%swap3A_58, %swap3A_59] : memref<1x1xi32, #tpu.memory_space<smem>>
    return
  }
  func.func @transform_0(%arg0: i32, %arg1: i32) -> i32 {
    %c0_i32 = arith.constant 0 : i32
    %c0_i32_0 = arith.constant 0 : i32
    return %c0_i32 : i32
  }
  func.func @transform_1(%arg0: i32, %arg1: i32) -> (i32, i32, i32, i32) {
    %c0_i32 = arith.constant 0 : i32
    %c0_i32_0 = arith.constant 0 : i32
    %c0_i32_1 = arith.constant 0 : i32
    return %arg0, %arg1, %c0_i32, %c0_i32_0 : i32, i32, i32, i32
  }
  func.func @transform_2(%arg0: i32, %arg1: i32) -> (i32, i32, i32, i32) {
    %add3A = arith.constant 1 : i32
    %add3A_0 = arith.addi %arg1, %add3A : i32
    %c0_i32 = arith.constant 0 : i32
    %c0_i32_1 = arith.constant 0 : i32
    %c0_i32_2 = arith.constant 0 : i32
    return %arg0, %add3A_0, %c0_i32, %c0_i32_1 : i32, i32, i32, i32
  }
  func.func @transform_4(%arg0: i32, %arg1: i32) -> (i32, i32) {
    %c0_i32 = arith.constant 0 : i32
    %c0_i32_0 = arith.constant 0 : i32
    %c0_i32_1 = arith.constant 0 : i32
    return %c0_i32, %c0_i32_0 : i32, i32
  }
  func.func @transform_5(%arg0: i32, %arg1: i32) -> (i32, i32) {
    %c0_i32 = arith.constant 0 : i32
    %c0_i32_0 = arith.constant 0 : i32
    %c0_i32_1 = arith.constant 0 : i32
    return %c0_i32, %c0_i32_0 : i32, i32
  }
}

</mosaic_0001>

<sc_bundles>
// kernel: kernel.4.cloned.1.call-start
scs
__scs_entry_jumppad:
0x0: {  	(pc) =	sbr.rel $0x88, $3  }
0x1: {  	(tag) =	ssettag $0x0;
	lr =	simm.s32 $0x1  }
0x2: {  	[smem:$0x3F9F] =	sst lr;
	_ =	strace $0xD0000000  }
0x3: {  	_ = 	snop  }
0x4: {  	_ = 	snop  }
0x5: {  	_ = 	snop  }
0x6: {  	_ = 	snop  }
0x7: {  	_ = 	snop  }
__scs_overlays_trampoline_lowered:
0x8: {  	[smem:$0x3FAE] =	sst s0  }
0x9: {  	[smem:$0x3FAF] =	sst s1  }
0xa: {  	[smem:$0x3FB0] =	sst s2  }
0xb: {  	[smem:$0x3FB1] =	sst s3  }
0xc: {  	[smem:$0x3FB2] =	sst s4  }
0xd: {  	[smem:$0x3FB3] =	sst s5  }
0xe: {  	[smem:$0x3FB4] =	sst s6  }
0xf: {  	[smem:$0x3FB5] =	sst s7  }
0x10: {  	[smem:$0x3FB6] =	sst s8  }
0x11: {  	[smem:$0x3FB7] =	sst s9;
	s0 =	simm.s32 @!p0 $0x0  }
0x12: {  	s1 =	sld [smem:$0x3F9D];
	s0 =	simm.s32 @p0 $0x1  }
0x13: {  	[smem:$0x3FB8] =	sst s0;
	s0 =	simm.s32 @!p1 $0x0  }
0x14: {  	s2 =	sld [smem:$0x3F9C];
	s0 =	simm.s32 @p1 $0x1  }
0x15: {  	[smem:$0x3FB9] =	sst s0;
	s0 =	simm.s32 @!p2 $0x0  }
0x16: {  	s3 =	sld [smem:$0x3FDB];
	s0 =	simm.s32 @p2 $0x1  }
0x17: {  	s4 =	simm.s32 $0x1BF5;
	[smem:$0x3FBB] =	sst s0  }
0x18: {  	s0 =	sld [smem:$0x3F9E];
	_ =	swait.ge [sflag:s4], $0x0  }
0x19: {  	s7 =	sld [smem:$0x3F9F]  }
0x1a: {  	s8 =	sadd.s32 $0xFFFFE003, lr  }
0x1b: {  	s9 =	sadd.s32 $0xFFFFFEF7, lr;
	s5 =	simm.s32 $0xFFFFFFFF;
	p2 =	slt.u32 s8, $0xFFFFF086  }
0x1c: {  	p1 =	slt.u32 s9, $0xF7A;
	s5 =	simm.s32 @!p2 $0x0  }
0x1d: {  	s5 =	simm.s32 @p1 $0x1;
	p0 =	seq.s32 s7, s2  }
0x1e: {  	s7 =	smul.u32 @!p0 $0xF7A, s2;
	p2 =	seq.s32 @!p0 s5, $0x0  }
0x1f: {  	s9 =	smul.u32 $0xF7A, s1;
	s8 =	simm.s32 @!p0 $0x1BF5;
	p2 =	por !p2, p0  }
0x20: {  	[sflag:s8] =	ssyncset.s32 @!p0 $0xFFFFF086;
	s6 =	sadd.s32 @!p0 s3, s7;
	s7 =	simm.s32 @!p0 $0x108  }
0x21: {  	s3 =	sadd.s32 s3, s9;
	s6 =	sadd.s32 @!p0 $0x88, s6;
	s7 =	simm.s32 @p2 $0x1082  }
0x22: {  	[simem:s7], [sflag:s8] =	dma.local @!p0 [hbm:s6], $0xF7A  }
0x23: {  	s9 =	sor.u32 $0xD0000000, s2;
	s6 =	simm.s32 $0x108;
	_ =	swait.ge @!p0 [sflag:s8], $0x0  }
0x24: {  	s3 =	sadd.s32 $0x88, s3;
	s6 =	simm.s32 @!p1 $0x1082;
	[sflag:s4] =	ssyncset.s32 $0xFFFFF086  }
0x25: {  	[simem:s6], [sflag:s4] =	dma.local [hbm:s3], $0xF7A  }
0x26: {  	[smem:$0x3F9F] =	sst s1;
	(tag) =	ssettag s2;
	_ =	strace s9  }
0x27: {  	s1 =	sld [smem:$0x3FAF]  }
0x28: {  	s2 =	sld [smem:$0x3FB0]  }
0x29: {  	s4 =	sld [smem:$0x3FB2]  }
0x2a: {  	p0 =	seq.s32 s5, $0x0;
	s5 =	sld [smem:$0x3FB3]  }
0x2b: {  	s6 =	sld [smem:$0x3FB4]  }
0x2c: {  	s7 =	sld [smem:$0x3FB5]  }
0x2d: {  	s3 =	simm.s32 $0x108;
	s8 =	sld [smem:$0x3FB6]  }
0x2e: {  	s3 =	simm.s32 @!p0 $0x1082;
	s9 =	sld [smem:$0x3FB7]  }
0x2f: {  	lr =	sadd.s32 s0, s3;
	s0 =	sld [smem:$0x3FAE]  }
0x30: {  	s3 =	sld [smem:$0x3FB1]  }
0x31: {  	[smem:$0x3FBA] =	sst s10  }
0x32: {  	s10 =	sld [smem:$0x3FB8];
	_ =	sdelay $0x3  }
0x33: {  	p0 =	seq.s32 s10, $0x1;
	s10 =	sld [smem:$0x3FBA];
	_ =	sdelay $0x3  }
0x34: {  	[smem:$0x3FBA] =	sst s10  }
0x35: {  	s10 =	sld [smem:$0x3FB9];
	_ =	sdelay $0x3  }
0x36: {  	p1 =	seq.s32 s10, $0x1;
	s10 =	sld [smem:$0x3FBA];
	_ =	sdelay $0x3  }
0x37: {  	[smem:$0x3FBA] =	sst s10  }
0x38: {  	s10 =	sld [smem:$0x3FBB]  }
0x39: {  	_ = 	snop;
	(pc) =	sbr.ind lr, $3  }
0x3a: {  	_ = 	snop  }
0x3b: {  	_ = 	snop  }
0x3c: {  	p2 =	seq.s32 s10, $0x1;
	s10 =	sld [smem:$0x3FBA]  }
0x3d: {  	_ =	shalt  }
0x3e: {  	_ =	shalt  }
0x3f: {  	_ =	shalt  }
0x40: {  	_ =	shalt  }
0x41: {  	_ =	shalt  }
0x42: {  	_ =	shalt  }
0x43: {  	_ =	shalt  }
0x44: {  	_ =	shalt  }
0x45: {  	_ =	shalt  }
0x46: {  	_ =	shalt  }
0x47: {  	_ =	shalt  }
0x48: {  	_ =	shalt  }
0x49: {  	_ =	shalt  }
0x4a: {  	_ =	shalt  }
0x4b: {  	_ =	shalt  }
0x4c: {  	_ =	shalt  }
0x4d: {  	_ =	shalt  }
0x4e: {  	_ =	shalt  }
0x4f: {  	_ =	shalt  }
0x50: {  	_ =	shalt  }
0x51: {  	_ =	shalt  }
0x52: {  	_ =	shalt  }
0x53: {  	_ =	shalt  }
0x54: {  	_ =	shalt  }
0x55: {  	_ =	shalt  }
0x56: {  	_ =	shalt  }
0x57: {  	_ =	shalt  }
0x58: {  	_ =	shalt  }
0x59: {  	_ =	shalt  }
0x5a: {  	_ =	shalt  }
0x5b: {  	_ =	shalt  }
0x5c: {  	_ =	shalt  }
0x5d: {  	_ =	shalt  }
0x5e: {  	_ =	shalt  }
0x5f: {  	_ =	shalt  }
0x60: {  	_ =	shalt  }
0x61: {  	_ =	shalt  }
0x62: {  	_ =	shalt  }
0x63: {  	_ =	shalt  }
0x64: {  	_ =	shalt  }
0x65: {  	_ =	shalt  }
0x66: {  	_ =	shalt  }
0x67: {  	_ =	shalt  }
0x68: {  	_ =	shalt  }
0x69: {  	_ =	shalt  }
0x6a: {  	_ =	shalt  }
0x6b: {  	_ =	shalt  }
0x6c: {  	_ =	shalt  }
0x6d: {  	_ =	shalt  }
0x6e: {  	_ =	shalt  }
0x6f: {  	_ =	shalt  }
0x70: {  	_ =	shalt  }
0x71: {  	_ =	shalt  }
0x72: {  	_ =	shalt  }
0x73: {  	_ =	shalt  }
0x74: {  	_ =	shalt  }
0x75: {  	_ =	shalt  }
0x76: {  	_ =	shalt  }
0x77: {  	_ =	shalt  }
0x78: {  	_ =	shalt  }
0x79: {  	_ =	shalt  }
0x7a: {  	_ =	shalt  }
0x7b: {  	_ =	shalt  }
0x7c: {  	_ =	shalt  }
0x7d: {  	_ =	shalt  }
0x7e: {  	_ =	shalt  }
0x7f: {  	_ =	shalt  }
0x80: {  	_ =	shalt  }
0x81: {  	_ =	shalt  }
0x82: {  	_ =	shalt  }
0x83: {  	_ =	shalt  }
0x84: {  	_ =	shalt  }
0x85: {  	_ =	shalt  }
0x86: {  	_ =	shalt  }
0x87: {  	_ =	shalt  }
.Lfunc_end0:
.L_simem_size_0:
called_computation_lowered:
.L_overlay_start_0:
0x88: {  	s2 =	sld [smem:$0x3FD9]  }
0x89: {  	s3 =	sld [smem:$0x3FFE];
	_ =	sdelay $0x1  }
0x8a: {  	s1 =	srdreg.scid  }
0x8b: {  	s0 =	sand.u32 $0x1, s1  }
0x8c: {  	s17 =	sshll.u32 s0, $0xA;
	s2 =	sadd.s32 s3, s2  }
0x8d: {  	s2 =	sadd.s32 s2, s17  }
0x8e: {  	[smem:$0x3FC6] =	sst s2  }
0x8f: {  	_ = 	snop  }
0x90: {  	s2 =	sld [smem:$0x3FC9]  }
0x91: {  	s18 =	sld [smem:$0x3FC8];
	(tm) =	ssettm $0x1  }
0x92: {  	s4 =	sld [smem:$0x3FFB];
	_ =	sdelay $0x3  }
0x93: {  	_ =	strace s4  }
0x94: {  	s4 =	sld [smem:$0x3FFC];
	_ =	sdelay $0x3  }
0x95: {  	_ =	strace s4  }
0x96: {  	s4 =	sld [smem:$0x3FFD];
	_ =	sdelay $0x3  }
0x97: {  	_ =	strace s4  }
0x98: {  	_ =	strace $0x8FFFFFFF  }
0x99: {  	s19 =	sld [smem:$0x3FDB];
	_ =	sdelay $0x1  }
0x9a: {  	s5 =	simm.s32 $_scs_section_size  }
0x9b: {  	s6 =	simm.s32 $_size__tile_overlayer_lowered;
	s7 =	simm.s32 $_tile_overlayer_lowered  }
0x9c: {  	s22 =	simm.s32 $0x1BFF;
	s21 =	sshll.u32 s7, $0x1;
	s4 =	sadd.s32 s5, s19  }
0x9d: {  	s8 =	simm.s32 $0x0;
	s20 =	sshll.u32 s6, $0x1;
	s6 =	sadd.s32 s21, s4  }
0x9e: {  	[timem:s8], [sflag:s22] =	dma.local [hbm:s6], s20  }
0x9f: {  	_ =	swait.ge [sflag:s22], s20  }
0xa0: {  	s5 =	ssub.s32 $0x0, s20;
	[sflag:s22] =	ssyncset.done $0x0  }
0xa1: {  	[sflag:s22] =	ssyncadd.s32 s5;
	_ =	sdelay $0x1  }
0xa2: {  	s23 =	simm.s32 $0x1B8B  }
0xa3: {  	_ =	swait.ge [sflag:s23], $0x1  }
0xa4: {  	[sflag:s23] =	ssyncset.done $0x0  }
0xa5: {  	s25 =	simm.s32 $0x1B8E;
	s24 =	sld [smem:$0x3FFE];
	[sflag:s23] =	ssyncadd.s32 $0xFFFFFFFF  }
0xa6: {  	s26 =	simm.s32 $execute0_lowered;
	[smem:$0x3FD2] =	sst s25  }
0xa7: {  	s6 =	sshll.u32 s26, $0x1;
	_ =	strace $0x80000046;
	[dreg:$0x1] =	wrdreg $0xFFFFFFFF  }
0xa8: {  	s28 =	simm.s32 $_size_execute0_lowered;
	s4 =	sadd.s32 s4, s6;
	[dreg:$0x0] =	wrdreg $0x0  }
0xa9: {  	s6 =	sshll.u32 s28, $0x1;
	[dreg:$0x2] =	wrdreg s4  }
0xaa: {  	[dreg:$0x3] =	wrdreg s6  }
0xab: {  	[dreg:$0x4] =	wrdreg $0xC0  }
0xac: {  	_ =	task [dreg:s8], $0x5FFFF  }
0xad: {  	[dreg:$0x1] =	wrdreg $0xFFFFFFFF  }
0xae: {  	[dreg:$0x0] =	wrdreg $0x60  }
0xaf: {  	[dreg:$0x2] =	wrdreg s2  }
0xb0: {  	[dreg:$0x3] =	wrdreg s18  }
0xb1: {  	[dreg:$0x4] =	wrdreg s24  }
0xb2: {  	[dreg:$0x5] =	wrdreg $0x9  }
0xb3: {  	_ =	task.clear_ibuf [dreg:s8], $0x6FFFF;
	_ =	strace $0x90000046  }
0xb4: {  	s29 =	simm.s32 $0x9;
	_ =	strace $0x80000048  }
0xb5: {  	_ =	swait.ge [sflag:s29], $0x1  }
0xb6: {  	[sflag:s29] =	ssyncadd.s32 $0xFFFFFFFF  }
0xb7: {  	_ =	strace $0x90000048  }
0xb8: {  	_ =	sfence  }
0xb9: {  	s30 =	sld [smem:$0x0];
	_ =	sdelay $0x2  }
0xba: {  	s31 =	sshll.u32 s1, $0xD;
	s1 =	sshrl.u32 s1, $0x2  }
0xbb: {  	s3 =	sand.u32 $0x4000, s31;
	s1 =	sadd.s32 s1, s30  }
0xbc: {  	s0 =	sor.u32 s3, s0;
	s1 =	sshll.u32 s1, $0x11  }
0xbd: {  	s0 =	sor.u32 s1, s0  }
0xbe: {  	s0 =	sadd.s32 $0x8F2B, s0  }
0xbf: {  	[sflag:s0] =	ssyncadd.remote.s32 $0x1  }
0xc0: {  	_ =	sfence.sel $0xFFFF  }
0xc1: {  	[dreg:$0x0] =	wrdreg $0xFFFFFFFF;
	(pc) =	sbr.abs _section_cstart, $3  }
0xc2: {  	[dreg:$0x1] =	wrdreg $0xFFFFFFFF  }
0xc3: {  	_ =	task.clear_ibuf [dreg:s8], $0x2FFFF;
	_ =	strace $0x9FFFFFFF  }
0xc4: {  	(tm) =	ssettm $0x7FFFFFFF  }
0xc5: {  	_ =	shalt  }
tec
execute0_lowered:
.L_overlay_start_1:
0x0: {  	(tag) =	ssettag $0x1  }
0x1: {  	s1 =	rddreg [dreg:$0x0]  }
0x2: {  	s3 =	rddreg [dreg:$0x1]  }
0x3: {  	s6 =	rddreg [dreg:$0x2]  }
0x4: {  	s5 =	srdreg.scid;
	s0 =	stileid.u32;
	s4 =	simm.s32 $0x0  }
0x5: {  	s10 =	simm.s32 $0x11000;
	s11 =	simm.s32 $0x13000;
	s12 =	simm.s32 $0x12000  }
0x6: {  	s13 =	simm.s32 $0x14000;
	s14 =	simm.s32 $0x1;
	s15 =	simm.s32 $0x3  }
0x7: {  	s16 =	simm.s32 $0x2;
	s17 =	simm.s32 $0x4;
	s18 =	simm.s32 $0x0  }
.Ltmp0:
0x8: {  	s5 =	sand.u32 $0x1, s5;
	s7 =	sshll.u32 s0, $0x1;
	(pc) =	sbr.rel .LBB2_1-.Ltmp0, $4  }
0x9: {  	[smem:$0x7FF] =	sst s4;
	s8 =	ssub.s32 $0x2, s5;
	s5 =	sor.u32 s5, s7  }
0xa: {  	_ =	strace $0x80000047;
	s31 =	sshrl.u32 s8, $0x1;
	s9 =	sshll.u32 s5, $0xD  }
0xb: {  	s5 =	sshll.u32 s5, $0xC;
	s7 =	ssub.s32 s8, s31;
	s6 =	sadd.s32 s6, s9  }
0xc: {  	v0 =	vimm.s32 $0x0;
	v1 =	vimm.s32 $0x1;
	s8 =	simm.s32 $0x10000;
	s9 =	simm.s32 $0x5;
	s7 =	smax.u32 s7, $0x1  }
.LBB2_12:
0xd: {  	s18 =	sadd.s32 $0x1, s18  }
0xe: {  	p0 =	sne.s32 s18, s7  }
.Ltmp1:
0xf: {  	_ = 	snop;
	(pc) =	sbr.rel @!p0 .LBB2_13-.Ltmp1, $4  }
0x10: {  	[hbm4b:s6+s4] =	stream.linear.scatter [tilespmem:s4], [sflag:$0x5], $0x10000, $0x38;
	[tilespmem:$0x15000] =	vst v63  }
0x11: {  	_ =	swait.ge [sflag:s9], $0x10000  }
0x12: {  	[sflag:s9] =	ssyncset.done $0x0  }
0x13: {  	[sflag:s9] =	ssyncadd.s32 $0xFFFF0000  }
.LBB2_1:
0x14: {  	s19 =	simm.s32 $0x0  }
.LBB2_2:
0x15: {  	p0 =	sne.s32 s19, $0x3FFC0  }
.Ltmp2:
0x16: {  	_ = 	snop;
	(pc) =	sbr.rel @p0 .LBB2_2-.Ltmp2, $3  }
0x17: {  	_ =	sdelay $0x1  }
0x18: {  	s20 =	sshra.s32 s19, $0x2  }
0x19: {  	s19 =	sadd.s32 $0x40, s19;
	[tilespmem:s20+$0x0] =	vst v0  }
.Ltmp3:
0x1a: {  	(pc) =	sbr.rel .LBB2_4-.Ltmp3, $2  }
0x1b: {  	_ =	sdelay $0x2  }
0x1c: {  	s19 =	simm.s32 $0x0;
	p1 =	por $0x1, $0x1;
	s20 =	simm.s32 $0x0  }
.LBB2_11:
.Ltmp4:
0x1d: {  	(pc) =	sbr.rel @!p0 .LBB2_12-.Ltmp4, $2  }
0x1e: {  	_ =	sdelay $0x2  }
0x1f: {  	s20 =	simm.s32 $0x20000;
	p1 =	por $0x0, $0x0  }
.LBB2_4:
0x20: {  	s20 =	sor.u32 s5, s20  }
0x21: {  	s21 =	sshrl.u32 s20, $0x3  }
0x22: {  	s22 =	sadd.s32 s3, s21  }
0x23: {  	[tilespmem:s8], [sflag:$0x5] =	stream.linear.gather [hbm4b:s22+s19], $0x1000, $0x38;
	[tilespmem:$0x15000] =	vst v63  }
0x24: {  	_ =	swait.ge [sflag:s9], $0x1000  }
0x25: {  	[sflag:s9] =	ssyncset.done $0x0  }
0x26: {  	s30 =	sadd.s32 s1, s21;
	s31 =	sor.u32 $0x8000, s21;
	[sflag:s9] =	ssyncadd.s32 $0xFFFFF000  }
0x27: {  	[tilespmem:s10], [sflag:$0x1] =	stream.linear.gather [hbm4b:s30+s19], $0x1000, $0x38;
	[tilespmem:$0x15000] =	vst v63  }
0x28: {  	s23 =	sadd.s32 s3, s31  }
0x29: {  	[tilespmem:s11], [sflag:$0x3] =	stream.linear.gather [hbm4b:s23+s19], $0x1000, $0x38;
	[tilespmem:$0x15000] =	vst v63  }
0x2a: {  	s21 =	sor.u32 $0x10000, s21;
	s22 =	sadd.s32 s1, s31  }
0x2b: {  	[tilespmem:s12], [sflag:$0x2] =	stream.linear.gather [hbm4b:s22+s19], $0x1000, $0x38;
	[tilespmem:$0x15000] =	vst v63  }
0x2c: {  	s21 =	sadd.s32 s3, s21  }
0x2d: {  	[tilespmem:s13], [sflag:$0x4] =	stream.linear.gather [hbm4b:s21+s19], $0x1000, $0x38;
	[tilespmem:$0x15000] =	vst v63  }
0x2e: {  	p0 =	por p1, p1;
	s22 =	simm.s32 $0x0;
	s21 =	sor.u32 $0x40000, s20  }
.LBB2_5:
0x2f: {  	_ =	swait.ge [sflag:s14], $0x1000  }
0x30: {  	[sflag:s14] =	ssyncset.done $0x0  }
0x31: {  	[sflag:s14] =	ssyncadd.s32 $0xFFFFF000  }
0x32: {  	s24 =	simm.s32 $0x0;
	_ =	swait.ge [sflag:s15], $0x1000  }
0x33: {  	s23 =	sand.u32 $0xC00, s24;
	s25 =	sand.u32 $0x380, s24;
	[sflag:s15] =	ssyncset.done $0x0  }
0x34: {  	s23 =	sor.u32 s25, s23;
	[sflag:s15] =	ssyncadd.s32 $0xFFFFF000  }
0x35: {  	v3 =	vld [tilespmem:s23+$0x13020]  }
0x36: {  	v6 =	vld [tilespmem:s23+$0x11020]  }
0x37: {  	v8 =	vld [tilespmem:s23+$0x11050]  }
0x38: {  	s24 =	sand.u32 $0x3, s24;
	v7 =	vld [tilespmem:s23+$0x13030]  }
0x39: {  	s24 =	sshll.u32 s24, $0xA;
	v5 =	vld [tilespmem:s23+$0x13000]  }
0x3a: {  	s31 =	sadd.s32 $0x0, s24;
	v2 =	vld [tilespmem:s23+$0x10030]  }
0x3b: {  	s24 =	sor.u32 $0x70, s31;
	v11 =	vld [tilespmem:s23+$0x11000]  }
0x3c: {  	s25 =	sor.u32 $0x60, s31;
	v9 =	vld [tilespmem:s24+$0x10000]  }
0x3d: {  	v13 =	vld [tilespmem:s25+$0x10000]  }
0x3e: {  	v12 =	vld [tilespmem:s23+$0x11030]  }
0x3f: {  	v4 =	vld [tilespmem:s23+$0x10020]  }
0x40: {  	v14 =	vld [tilespmem:s23+$0x13050];
	v10 =	vshrl.u32 v6, $0x11;
	vm1 =	veq.s32 v2, $0x0  }
0x41: {  	v18 =	vld [tilespmem:s23+$0x13010];
	v3 =	vshll.u32 v3, $0x1F;
	v15 =	vshll.u32 v5, $0x1F;
	vm0 =	veq.s32 v9, $0x0  }
0x42: {  	v19 =	vld [tilespmem:s23+$0x11010];
	vm2 =	veq.s32 v13, $0x0;
	v5 =	vand.u32 $0x7F, v10;
	v10 =	vxor.u32 v6, v3  }
0x43: {  	v2 =	vld [tilespmem:s24+$0x11000];
	v3 =	vshll.u32 v7, $0x1F;
	v6 =	vxor.u32 v11, v15;
	v15 =	vshrl.u32 v12, $0x11  }
0x44: {  	v17 =	vld [tilespmem:s23+$0x13040];
	v7 =	vshrl.u32 v8, $0x11;
	v11 =	vshrl.u32 v11, $0x11;
	v6 =	vshrl.u32 v6, $0x11  }
0x45: {  	v9 =	vld [tilespmem:s25+$0x11000];
	v7 =	vand.u32 $0x7F, v7;
	v13 =	vand.u32 $0x7F, v15;
	v12 =	vxor.u32 v12, v3  }
0x46: {  	v16 =	vld [tilespmem:s25+$0x13000];
	v20 =	vand.u32 $0x7F80, v6;
	v6 =	vshll.u32 v14, $0x1F;
	v14 =	vand.u32 $0x7F, v11  }
0x47: {  	v15 =	vld [tilespmem:s23+$0x10050];
	v12 =	vshrl.u32 v12, $0x11;
	v11 =	vxor.u32 v8, v6;
	v8 =	vshll.u32 v18, $0x1F  }
0x48: {  	v18 =	vshrl.u32 v19, $0x11;
	v3 =	vshrl.u32 v2, $0x11;
	v21 =	vxor.u32 v19, v8;
	v8 =	vld [tilespmem:s23+$0x10010]  }
0x49: {  	s26 =	simm.s32 $0x400;
	v18 =	vand.u32 $0x7F, v18;
	v6 =	vand.u32 $0x7F, v3;
	v3 =	vor.u32 v14, v20;
	v14 =	vld [tilespmem:s23+$0x11040]  }
0x4a: {  	s28 =	simm.s32 $0x20;
	s29 =	simm.s32 $0x1;
	s25 =	simm.s32 $0x0;
	v19 =	vshrl.u32 v9, $0x11;
	v20 =	vand.u32 $0x7F80, v12;
	v12 =	vld [tilespmem:s23+$0x10040];
	v21 =	vshrl.u32 v21, $0x11  }
.LBB2_6:
0x4b: {  	s30 =	sand.u32 $0x3, s29;
	s31 =	sand.u32 $0xC00, s26;
	s0 =	sand.u32 $0x380, s28;
	v22 =	vld [tilespmem:s23+$0x10000];
	v21 =	vand.u32 $0x7F80, v21;
	vm3 =	veq.s32 v4, $0x0;
	v4 =	vshll.u32 v17, $0x1F  }
0x4c: {  	s25 =	sadd.s32 $0x8, s25;
	v10 =	vshrl.u32 v10, $0x11;
	vm4 =	veq.s32 v15, $0x0;
	s30 =	sshll.u32 s30, $0xA;
	s23 =	sor.u32 s0, s31;
	v17 =	vor.u32 v21, v18;
	v15 =	vld [tilespmem:s24+$0x13000]  }
0x4d: {  	v13 =	vor.u32 v20, v13;
	p1 =	slt.u32 s25, $0xF8;
	v16 =	vshll.u32 v16, $0x1F;
	s0 =	sadd.s32 s30, s28;
	v18 =	vld [tilespmem:s23+$0x13020];
	v17 =	vor.u32 $0x8000, v17  }
0x4e: {  	v13 =	vor.u32 $0x8000, v13;
	v9 =	vxor.u32 v9, v16;
	v16 =	vand.u32 $0x7F, v19;
	v20 =	vld [tilespmem:s23+$0x11020];
	s24 =	sor.u32 $0x70, s0  }
0x4f: {  	v10 =	vand.u32 $0x7F80, v10;
	v21 =	vshrl.u32 v14, $0x11;
	v9 =	vshrl.u32 v9, $0x11;
	v19 =	vld [tilespmem:s23+$0x11050]  }
0x50: {  	v11 =	vshrl.u32 v11, $0x11;
	v14 =	vxor.u32 v14, v4;
	v9 =	vand.u32 $0x7F80, v9;
	v23 =	vld [tilespmem:s23+$0x13030]  }
0x51: {  	v5 =	vor.u32 v5, v10;
	v10 =	vand.u32 $0x7F80, v11;
	s30 =	sor.u32 $0x60, s0;
	v9 =	vor.u32 v16, v9;
	v4 =	vld [tilespmem:s23+$0x10020]  }
0x52: {  	v14 =	vshrl.u32 v14, $0x11;
	v7 =	vor.u32 v10, v7;
	v10 =	vshll.u32 v15, $0x1F;
	v11 =	vld [tilespmem:s30+$0x10000]  }
0x53: {  	vm6 =	veq.s32 v12, $0x0;
	v12 =	vand.u32 $0x7F, v21;
	v14 =	vand.u32 $0x7F80, v14;
	v15 =	vld [tilespmem:s23+$0x13000]  }
0x54: {  	v7 =	vor.u32 $0x8000, v7;
	vm7 =	veq.s32 v22, $0x0;
	v12 =	vor.u32 v12, v14;
	v16 =	vld [tilespmem:s23+$0x10030]  }
0x55: {  	vm5 =	veq.s32 v8, $0x0;
	v2 =	vxor.u32 v2, v10;
	v14 =	vshrl.u32 v20, $0x11;
	[tilespmem:v13+s4+$0x0] =	vst.idx.add.s32.msk vm1, v1  }
0x56: {  	v2 =	vshrl.u32 v2, $0x11;
	v8 =	vld [tilespmem:s23+$0x11000]  }
0x57: {  	v2 =	vand.u32 $0x7F80, v2;
	v13 =	vld [tilespmem:s24+$0x10000]  }
0x58: {  	[tilespmem:v5+s4+$0x0] =	vst.idx.add.s32.msk vm3, v1;
	v5 =	vor.u32 v2, v6  }
0x59: {  	[tilespmem:v7+s4+$0x0] =	vst.idx.add.s32.msk vm4, v1  }
0x5a: {  	[tilespmem:v12+s4+$0x0] =	vst.idx.add.s32.msk vm6, v1  }
0x5b: {  	[tilespmem:v9+s4+$0x0] =	vst.idx.add.s32.msk vm2, v1  }
0x5c: {  	v6 =	vor.u32 $0x8000, v5;
	v2 =	vld [tilespmem:s24+$0x11000]  }
0x5d: {  	v12 =	vld [tilespmem:s23+$0x13010]  }
0x5e: {  	v21 =	vld [tilespmem:s23+$0x11030]  }
0x5f: {  	vm1 =	veq.s32 v16, $0x0;
	[tilespmem:v3+s4+$0x0] =	vst.idx.add.s32.msk vm7, v1  }
0x60: {  	v3 =	vshll.u32 v18, $0x1F;
	v16 =	vld [tilespmem:s23+$0x13050]  }
0x61: {  	v7 =	vshll.u32 v15, $0x1F;
	v5 =	vand.u32 $0x7F, v14;
	[tilespmem:v17+s4+$0x0] =	vst.idx.add.s32.msk vm5, v1  }
0x62: {  	v10 =	vxor.u32 v20, v3;
	v3 =	vshll.u32 v23, $0x1F;
	[tilespmem:v6+s4+$0x0] =	vst.idx.add.s32.msk vm0, v1;
	vm0 =	veq.s32 v13, $0x0  }
0x63: {  	v6 =	vxor.u32 v8, v7;
	v7 =	vshrl.u32 v19, $0x11;
	v13 =	vshrl.u32 v21, $0x11;
	v9 =	vld [tilespmem:s30+$0x11000]  }
0x64: {  	vm2 =	veq.s32 v11, $0x0;
	v6 =	vshrl.u32 v6, $0x11;
	v7 =	vand.u32 $0x7F, v7;
	v18 =	vld [tilespmem:s23+$0x11010]  }
0x65: {  	v14 =	vand.u32 $0x7F80, v6;
	v13 =	vand.u32 $0x7F, v13;
	v17 =	vld [tilespmem:s23+$0x13040];
	v6 =	vshll.u32 v16, $0x1F  }
.Ltmp5:
0x66: {  	v8 =	vshrl.u32 v8, $0x11;
	v20 =	vxor.u32 v21, v3;
	v3 =	vshrl.u32 v2, $0x11;
	v15 =	vld [tilespmem:s23+$0x10050];
	(pc) =	sbr.rel @p1 .LBB2_6-.Ltmp5, $4  }
0x67: {  	v8 =	vand.u32 $0x7F, v8;
	v11 =	vxor.u32 v19, v6;
	v6 =	vand.u32 $0x7F, v3;
	v16 =	vld [tilespmem:s30+$0x13000]  }
0x68: {  	v3 =	vor.u32 v8, v14;
	v8 =	vshll.u32 v12, $0x1F;
	v12 =	vshrl.u32 v20, $0x11;
	v14 =	vld [tilespmem:s23+$0x11040]  }
0x69: {  	v20 =	vand.u32 $0x7F80, v12;
	v19 =	vxor.u32 v18, v8;
	v18 =	vshrl.u32 v18, $0x11;
	v12 =	vld [tilespmem:s23+$0x10040]  }
0x6a: {  	s26 =	sadd.s32 $0x400, s26;
	s29 =	sadd.s32 $0x1, s29;
	s28 =	sadd.s32 $0x20, s28;
	v8 =	vld [tilespmem:s23+$0x10010];
	v18 =	vand.u32 $0x7F, v18;
	v21 =	vshrl.u32 v19, $0x11;
	v19 =	vshrl.u32 v9, $0x11  }
0x6b: {  	v21 =	vand.u32 $0x7F80, v21;
	vm3 =	veq.s32 v4, $0x0;
	v4 =	vshll.u32 v17, $0x1F  }
0x6c: {  	v10 =	vshrl.u32 v10, $0x11;
	v13 =	vor.u32 v20, v13;
	vm4 =	veq.s32 v15, $0x0  }
0x6d: {  	v17 =	vld [tilespmem:s24+$0x13000];
	v15 =	vand.u32 $0x7F, v19;
	v11 =	vshrl.u32 v11, $0x11;
	v16 =	vshll.u32 v16, $0x1F  }
0x6e: {  	v13 =	vor.u32 $0x8000, v13;
	v10 =	vand.u32 $0x7F80, v10;
	v9 =	vxor.u32 v9, v16  }
0x6f: {  	v19 =	vld [tilespmem:s23+$0x10000];
	v16 =	vshrl.u32 v14, $0x11;
	v4 =	vxor.u32 v14, v4;
	v5 =	vor.u32 v5, v10  }
0x70: {  	v10 =	vand.u32 $0x7F80, v11;
	v9 =	vshrl.u32 v9, $0x11;
	v4 =	vshrl.u32 v4, $0x11  }
0x71: {  	v7 =	vor.u32 v10, v7;
	vm5 =	veq.s32 v12, $0x0;
	v11 =	vand.u32 $0x7F, v16  }
0x72: {  	v4 =	vand.u32 $0x7F80, v4;
	v7 =	vor.u32 $0x8000, v7;
	v10 =	vshll.u32 v17, $0x1F  }
0x73: {  	v9 =	vand.u32 $0x7F80, v9;
	v4 =	vor.u32 v11, v4;
	v2 =	vxor.u32 v2, v10  }
0x74: {  	v9 =	vor.u32 v15, v9;
	vm6 =	veq.s32 v19, $0x0;
	v2 =	vshrl.u32 v2, $0x11  }
0x75: {  	s23 =	sshll.u32 s22, $0x1;
	p1 =	seq.s32 s22, $0x3F;
	vm7 =	veq.s32 v8, $0x0;
	v10 =	vor.u32 v21, v18;
	[tilespmem:v13+s4+$0x0] =	vst.idx.add.s32.msk vm1, v1;
	v2 =	vand.u32 $0x7F80, v2  }
0x76: {  	s0 =	sadd.s32 @!p1 $0x2, s23;
	v8 =	vor.u32 $0x8000, v10;
	[tilespmem:v5+s4+$0x0] =	vst.idx.add.s32.msk vm3, v1;
	v2 =	vor.u32 v2, v6  }
0x77: {  	s24 =	sshrl.u32 @!p1 s0, $0x4;
	s0 =	sshll.u32 @!p1 s0, $0x12;
	[tilespmem:v7+s4+$0x0] =	vst.idx.add.s32.msk vm4, v1;
	v2 =	vor.u32 $0x8000, v2  }
0x78: {  	s25 =	sshll.u32 @!p1 s24, $0x16;
	s0 =	sand.u32 @!p1 $0x380000, s0;
	[tilespmem:v4+s4+$0x0] =	vst.idx.add.s32.msk vm5, v1  }
0x79: {  	s24 =	smul.u32 @!p1 $0x440000, s24;
	s25 =	sor.u32 @!p1 s0, s25;
	[tilespmem:v9+s4+$0x0] =	vst.idx.add.s32.msk vm2, v1  }
0x7a: {  	s0 =	sor.u32 @!p1 s0, s21;
	s25 =	sor.u32 @!p1 s20, s25;
	[tilespmem:v3+s4+$0x0] =	vst.idx.add.s32.msk vm6, v1  }
0x7b: {  	s26 =	simm.s32 @!p1 $0x0;
	s0 =	sadd.s32 @!p1 s24, s0;
	s25 =	sshrl.u32 @!p1 s25, $0x3;
	[tilespmem:v8+s4+$0x0] =	vst.idx.add.s32.msk vm7, v1  }
0x7c: {  	s28 =	simm.s32 @!p1 $0x11000;
	s0 =	sshrl.u32 @!p1 s0, $0x3;
	s25 =	sadd.s32 @!p1 s1, s25;
	[tilespmem:v2+s4+$0x0] =	vst.idx.add.s32.msk vm0, v1  }
0x7d: {  	[tilespmem:s28], [sflag:$0x1] =	stream.linear.gather @!p1 [hbm4b:s25+s26], $0x1000, $0x38;
	[tilespmem:$0x15000] =	vst v63  }
0x7e: {  	s24 =	simm.s32 @!p1 $0x13000;
	s0 =	sadd.s32 @!p1 s3, s0  }
0x7f: {  	[tilespmem:s24], [sflag:$0x3] =	stream.linear.gather @!p1 [hbm4b:s0+s26], $0x1000, $0x38;
	[tilespmem:$0x15000] =	vst v63  }
0x80: {  	_ =	swait.ge [sflag:s16], $0x1000  }
0x81: {  	[sflag:s16] =	ssyncset.done $0x0  }
0x82: {  	[sflag:s16] =	ssyncadd.s32 $0xFFFFF000  }
0x83: {  	s2 =	simm.s32 $0x0;
	_ =	swait.ge [sflag:s17], $0x1000  }
0x84: {  	s31 =	sand.u32 $0x380, s2;
	s26 =	sand.u32 $0xC00, s2;
	[sflag:s17] =	ssyncset.done $0x0  }
0x85: {  	s24 =	sor.u32 s31, s26;
	[sflag:s17] =	ssyncadd.s32 $0xFFFFF000  }
0x86: {  	v6 =	vld [tilespmem:s24+$0x12000]  }
0x87: {  	v3 =	vld [tilespmem:s24+$0x10030]  }
0x88: {  	s0 =	sand.u32 $0x3, s2;
	v5 =	vld [tilespmem:s24+$0x14000]  }
0x89: {  	s0 =	sshll.u32 s0, $0xA;
	v7 =	vld [tilespmem:s24+$0x14020]  }
0x8a: {  	s0 =	sadd.s32 $0x0, s0;
	v4 =	vld [tilespmem:s24+$0x14010]  }
0x8b: {  	s25 =	sor.u32 $0x1070, s0;
	v8 =	vld [tilespmem:s24+$0x14030]  }
0x8c: {  	v9 =	vld [tilespmem:s25+$0x13000]  }
0x8d: {  	v10 =	vld [tilespmem:s24+$0x12030]  }
0x8e: {  	v12 =	vld [tilespmem:s24+$0x12010]  }
0x8f: {  	s0 =	sor.u32 $0x1060, s0;
	v13 =	vld [tilespmem:s24+$0x14040]  }
0x90: {  	v14 =	vld [tilespmem:s0+$0x13000]  }
0x91: {  	v20 =	vld [tilespmem:s24+$0x14050]  }
0x92: {  	v2 =	vld [tilespmem:s24+$0x12020]  }
0x93: {  	v17 =	vld [tilespmem:s24+$0x12040];
	v11 =	vshll.u32 v4, $0x1F;
	v8 =	vshll.u32 v8, $0x1F  }
0x94: {  	v4 =	vshll.u32 v9, $0x1F;
	v9 =	vshrl.u32 v10, $0x11;
	vm0 =	veq.s32 v3, $0x0  }
0x95: {  	v18 =	vshll.u32 v13, $0x1F;
	v5 =	vshll.u32 v5, $0x1F;
	v7 =	vshll.u32 v7, $0x1F  }
0x96: {  	v16 =	vld [tilespmem:s24+$0x10000];
	v21 =	vshll.u32 v14, $0x1F;
	v20 =	vshll.u32 v20, $0x1F;
	v8 =	vxor.u32 v10, v8  }
0x97: {  	v3 =	vxor.u32 v12, v11;
	v11 =	vand.u32 $0x7F, v9;
	v9 =	vld [tilespmem:s24+$0x12050];
	v10 =	vxor.u32 v6, v5  }
0x98: {  	v5 =	vld [tilespmem:s0+$0x11000];
	v7 =	vxor.u32 v2, v7;
	v6 =	vshrl.u32 v6, $0x11;
	v18 =	vxor.u32 v17, v18  }
0x99: {  	v14 =	vld [tilespmem:s24+$0x10060];
	v17 =	vshrl.u32 v17, $0x11;
	v3 =	vshrl.u32 v3, $0x11;
	v10 =	vshrl.u32 v10, $0x11  }
0x9a: {  	v13 =	vld [tilespmem:s24+$0x10050];
	v7 =	vshrl.u32 v7, $0x11;
	v8 =	vshrl.u32 v8, $0x11;
	v15 =	vand.u32 $0x7F80, v3  }
0x9b: {  	v3 =	vld [tilespmem:s24+$0x10040];
	v10 =	vand.u32 $0x7F80, v10;
	v19 =	vand.u32 $0x7F80, v8;
	v8 =	vshrl.u32 v12, $0x11  }
0x9c: {  	s29 =	simm.s32 $0x20;
	v7 =	vand.u32 $0x7F80, v7;
	v12 =	vld [tilespmem:s24+$0x10010];
	v23 =	vand.u32 $0x7F, v8;
	v8 =	vand.u32 $0x7F, v17  }
0x9d: {  	s30 =	simm.s32 $0x1;
	s28 =	simm.s32 $0x400;
	s26 =	simm.s32 $0x0;
	v17 =	vand.u32 $0x7F, v6;
	v6 =	vld [tilespmem:s24+$0x10020];
	v22 =	vshrl.u32 v9, $0x11;
	v21 =	vxor.u32 v5, v21  }
.LBB2_8:
0x9e: {  	s0 =	sand.u32 $0x3, s30;
	s31 =	sand.u32 $0xC00, s28;
	s2 =	sand.u32 $0x380, s29;
	v15 =	vor.u32 v15, v23;
	v11 =	vor.u32 v19, v11;
	v19 =	vand.u32 $0x7F, v22;
	v22 =	vld [tilespmem:s25+$0x11000]  }
0x9f: {  	s26 =	sadd.s32 $0x8, s26;
	v18 =	vshrl.u32 v18, $0x11;
	vm1 =	veq.s32 v14, $0x0;
	s0 =	sshll.u32 s0, $0xA;
	v11 =	vor.u32 $0x8000, v11;
	v14 =	vld [tilespmem:s24+$0x10070];
	s24 =	sor.u32 s2, s31  }
0xa0: {  	v9 =	vxor.u32 v9, v20;
	p2 =	slt.u32 s26, $0xF8;
	s0 =	sadd.s32 s0, s29;
	v23 =	vld [tilespmem:s24+$0x12020];
	vm2 =	veq.s32 v16, $0x0;
	v16 =	vshrl.u32 v21, $0x11  }
0xa1: {  	v2 =	vshrl.u32 v2, $0x11;
	vm3 =	veq.s32 v13, $0x0;
	v20 =	vld [tilespmem:s24+$0x12000];
	s25 =	sor.u32 $0x1070, s0;
	v13 =	vand.u32 $0x7F80, v16  }
0xa2: {  	v10 =	vor.u32 v17, v10;
	v15 =	vor.u32 $0x8000, v15;
	v2 =	vand.u32 $0x7F, v2;
	v16 =	vld [tilespmem:s24+$0x10030]  }
0xa3: {  	v7 =	vor.u32 v2, v7;
	vm4 =	veq.s32 v12, $0x0;
	v17 =	vld [tilespmem:s24+$0x14000];
	v24 =	vxor.u32 v22, v4  }
0xa4: {  	v5 =	vshrl.u32 v5, $0x11;
	s31 =	sor.u32 $0x1060, s0;
	v4 =	vshrl.u32 v9, $0x11;
	[tilespmem:v11+s4+$0x0] =	vst.idx.add.s32.msk vm0, v1;
	v21 =	vshrl.u32 v24, $0x11  }
0xa5: {  	v5 =	vand.u32 $0x7F, v5;
	v9 =	vand.u32 $0x7F80, v18;
	v12 =	vld [tilespmem:s24+$0x14020];
	v11 =	vand.u32 $0x7F80, v21;
	v2 =	vmovc v23  }
0xa6: {  	v5 =	vor.u32 v5, v13;
	v8 =	vor.u32 v8, v9;
	v4 =	vand.u32 $0x7F80, v4;
	v18 =	vld [tilespmem:s24+$0x14010]  }
0xa7: {  	v13 =	vshrl.u32 v22, $0x11;
	v4 =	vor.u32 v4, v19;
	v9 =	vld [tilespmem:s24+$0x14030]  }
0xa8: {  	v13 =	vand.u32 $0x7F, v13;
	v4 =	vor.u32 $0x8000, v4;
	v19 =	vld [tilespmem:s24+$0x14040]  }
0xa9: {  	vm0 =	veq.s32 v14, $0x0;
	v11 =	vor.u32 v11, v13;
	v21 =	vld [tilespmem:s31+$0x13000]  }
0xaa: {  	v11 =	vor.u32 $0x8000, v11;
	[tilespmem:v15+s4+$0x0] =	vst.idx.add.s32.msk vm4, v1  }
0xab: {  	[tilespmem:v5+s4+$0x0] =	vst.idx.add.s32.msk vm1, v1  }
0xac: {  	vm1 =	veq.s32 v6, $0x0;
	[tilespmem:v10+s4+$0x0] =	vst.idx.add.s32.msk vm2, v1;
	vm2 =	veq.s32 v3, $0x0  }
0xad: {  	[tilespmem:v4+s4+$0x0] =	vst.idx.add.s32.msk vm3, v1  }
0xae: {  	v3 =	vld [tilespmem:s25+$0x13000]  }
0xaf: {  	v5 =	vld [tilespmem:s24+$0x12030]  }
0xb0: {  	v6 =	vld [tilespmem:s24+$0x12010]  }
0xb1: {  	[tilespmem:v11+s4+$0x0] =	vst.idx.add.s32.msk vm0, v1  }
0xb2: {  	v10 =	vshll.u32 v18, $0x1F;
	[tilespmem:v7+s4+$0x0] =	vst.idx.add.s32.msk vm1, v1  }
0xb3: {  	v7 =	vshll.u32 v9, $0x1F;
	v4 =	vshll.u32 v3, $0x1F;
	[tilespmem:v8+s4+$0x0] =	vst.idx.add.s32.msk vm2, v1  }
0xb4: {  	vm0 =	veq.s32 v16, $0x0;
	v7 =	vxor.u32 v5, v7;
	v3 =	vshrl.u32 v5, $0x11;
	v8 =	vld [tilespmem:s24+$0x12040]  }
0xb5: {  	v18 =	vshll.u32 v19, $0x1F;
	v5 =	vxor.u32 v6, v10;
	v11 =	vand.u32 $0x7F, v3;
	v24 =	vld [tilespmem:s24+$0x14050]  }
0xb6: {  	v3 =	vshll.u32 v17, $0x1F;
	v10 =	vshrl.u32 v5, $0x11;
	v9 =	vld [tilespmem:s24+$0x12050]  }
0xb7: {  	v12 =	vshll.u32 v12, $0x1F;
	v21 =	vshll.u32 v21, $0x1F;
	v3 =	vxor.u32 v20, v3;
	v5 =	vld [tilespmem:s31+$0x11000]  }
0xb8: {  	v12 =	vxor.u32 v2, v12;
	v13 =	vshrl.u32 v3, $0x11;
	v15 =	vand.u32 $0x7F80, v10;
	v3 =	vld [tilespmem:s24+$0x10040]  }
.Ltmp6:
0xb9: {  	v12 =	vshrl.u32 v12, $0x11;
	v10 =	vand.u32 $0x7F80, v13;
	v13 =	vshrl.u32 v7, $0x11;
	v14 =	vld [tilespmem:s24+$0x10060];
	(pc) =	sbr.rel @p2 .LBB2_8-.Ltmp6, $4  }
0xba: {  	v17 =	vshrl.u32 v20, $0x11;
	v7 =	vand.u32 $0x7F80, v12;
	v19 =	vand.u32 $0x7F80, v13;
	v13 =	vld [tilespmem:s24+$0x10050]  }
0xbb: {  	v6 =	vshrl.u32 v6, $0x11;
	v18 =	vxor.u32 v8, v18;
	v8 =	vshrl.u32 v8, $0x11;
	v16 =	vld [tilespmem:s24+$0x10000]  }
0xbc: {  	v23 =	vand.u32 $0x7F, v6;
	v8 =	vand.u32 $0x7F, v8;
	v22 =	vshrl.u32 v9, $0x11;
	v12 =	vld [tilespmem:s24+$0x10010]  }
0xbd: {  	s28 =	sadd.s32 $0x400, s28;
	s30 =	sadd.s32 $0x1, s30;
	s29 =	sadd.s32 $0x20, s29;
	v17 =	vand.u32 $0x7F, v17;
	v20 =	vshll.u32 v24, $0x1F;
	v21 =	vxor.u32 v5, v21;
	v6 =	vld [tilespmem:s24+$0x10020]  }
0xbe: {  	v15 =	vor.u32 v15, v23;
	v11 =	vor.u32 v19, v11  }
0xbf: {  	v22 =	vand.u32 $0x7F, v22;
	v18 =	vshrl.u32 v18, $0x11;
	vm2 =	veq.s32 v14, $0x0  }
0xc0: {  	v9 =	vxor.u32 v9, v20;
	v60 =	vshrl.u32 v21, $0x11;
	v2 =	vshrl.u32 v2, $0x11  }
0xc1: {  	v59 =	vld [tilespmem:s25+$0x11000];
	v10 =	vor.u32 v17, v10;
	v5 =	vshrl.u32 v5, $0x11;
	vm15 =	veq.s32 v3, $0x0  }
0xc2: {  	v11 =	vor.u32 $0x8000, v11;
	vm3 =	veq.s32 v13, $0x0;
	v14 =	vand.u32 $0x7F80, v60  }
0xc3: {  	v15 =	vor.u32 $0x8000, v15;
	v9 =	vshrl.u32 v9, $0x11;
	v5 =	vand.u32 $0x7F, v5  }
0xc4: {  	v61 =	vld [tilespmem:s24+$0x10070];
	v2 =	vand.u32 $0x7F, v2;
	v63 =	vand.u32 $0x7F80, v18;
	v5 =	vor.u32 v5, v14  }
0xc5: {  	vm1 =	veq.s32 v16, $0x0;
	v9 =	vand.u32 $0x7F80, v9;
	v3 =	vor.u32 v8, v63  }
0xc6: {  	vm4 =	veq.s32 v12, $0x0;
	v9 =	vor.u32 v9, v22;
	v4 =	vxor.u32 v59, v4  }
0xc7: {  	v9 =	vor.u32 $0x8000, v9;
	v62 =	vshrl.u32 v59, $0x11;
	v4 =	vshrl.u32 v4, $0x11  }
0xc8: {  	vm14 =	veq.s32 v6, $0x0;
	v12 =	vand.u32 $0x7F, v62;
	[tilespmem:v11+s4+$0x0] =	vst.idx.add.s32.msk vm0, v1;
	v4 =	vand.u32 $0x7F80, v4  }
0xc9: {  	v2 =	vor.u32 v2, v7;
	vm5 =	veq.s32 v61, $0x0;
	[tilespmem:v5+s4+$0x0] =	vst.idx.add.s32.msk vm2, v1;
	v4 =	vor.u32 v4, v12  }
0xca: {  	[tilespmem:v3+s4+$0x0] =	vst.idx.add.s32.msk vm15, v1;
	v4 =	vor.u32 $0x8000, v4  }
.Ltmp7:
0xcb: {  	[tilespmem:v10+s4+$0x0] =	vst.idx.add.s32.msk vm1, v1;
	(pc) =	sbr.rel @p1 .LBB2_11-.Ltmp7, $4  }
0xcc: {  	[tilespmem:v15+s4+$0x0] =	vst.idx.add.s32.msk vm4, v1  }
0xcd: {  	[tilespmem:v9+s4+$0x0] =	vst.idx.add.s32.msk vm3, v1  }
0xce: {  	[tilespmem:v2+s4+$0x0] =	vst.idx.add.s32.msk vm14, v1  }
0xcf: {  	[tilespmem:v4+s4+$0x0] =	vst.idx.add.s32.msk vm5, v1  }
0xd0: {  	s0 =	sadd.s32 $0x3, s23  }
0xd1: {  	s2 =	sshrl.u32 s0, $0x4;
	s0 =	sshll.u32 s0, $0x12  }
0xd2: {  	s31 =	sshll.u32 s2, $0x16;
	s0 =	sand.u32 $0x3C0000, s0  }
0xd3: {  	s2 =	smul.u32 $0x440000, s2;
	s23 =	sor.u32 s0, s31  }
0xd4: {  	s0 =	sadd.s32 s0, s21;
	s23 =	sor.u32 s20, s23  }
.Ltmp8:
0xd5: {  	s0 =	sadd.s32 s2, s0;
	s23 =	sshrl.u32 s23, $0x3;
	(pc) =	sbr.rel .LBB2_5-.Ltmp8, $4  }
0xd6: {  	s0 =	sshrl.u32 s0, $0x3;
	s23 =	sadd.s32 s1, s23  }
0xd7: {  	[tilespmem:s12], [sflag:$0x2] =	stream.linear.gather [hbm4b:s23+s4], $0x1000, $0x38;
	[tilespmem:$0x15000] =	vst v63  }
0xd8: {  	s22 =	sadd.s32 $0x1, s22;
	s0 =	sadd.s32 s3, s0  }
0xd9: {  	[tilespmem:s13], [sflag:$0x4] =	stream.linear.gather [hbm4b:s0+s4], $0x1000, $0x38;
	[tilespmem:$0x15000] =	vst v63  }
.LBB2_13:
0xda: {  	_ =	sfence.sel $0x180000  }
0xdb: {  	[bflag:$0x0] =	sbarrier.arrive $0xFFFF  }
0xdc: {  	_ =	strace $0x90000047  }
0xdd: {  	s0 =	stileid.u32;
	[bflag:$0x2] =	sbarrier.arrive $0xFFFF  }
0xde: {  	p0 =	sne.s32 s0, $0x0;
	s0 =	rddreg [dreg:$0x3]  }
0xdf: {  	s0 =	sadd.s32 @!p0 $0x100000, s0  }
0xe0: {  	[sflag:s0] =	ssyncadd.tile.s32 @!p0 $0x1;
	_ =	shalt  }
.Lfunc_end2:
_tile_overlayer_lowered:
.L_overlay_start_2:
0xe1: {  	(tag) =	ssettag $0x2  }
0xe2: {  	s0 =	rddreg [dreg:$0x0];
	s2 =	stileid.u32  }
0xe3: {  	s1 =	rddreg [dreg:$0x1];
	p0 =	sne.s32 s2, $0x0  }
0xe4: {  	s3 =	rddreg [dreg:$0x2];
	[bflag:$0x3] =	sbarrier.arrive $0xFFFF;
	s2 =	simm.s32 @!p0 $0x1C05  }
0xe5: {  	[timem:s3], [sflag:s2] =	dma.local @!p0 [hbm:s0], s1  }
0xe6: {  	s0 =	simm.s32 @!p0 $0x5  }
0xe7: {  	_ =	swait.ge @!p0 [sflag:s0], s1  }
0xe8: {  	s1 =	ssub.s32 @!p0 $0x0, s1;
	[sflag:s0] =	ssyncset.done @!p0 $0x0  }
0xe9: {  	[sflag:s0] =	ssyncadd.s32 @!p0 s1  }
0xea: {  	[bflag:$0x3] =	sbarrier.arrive $0xFFFF  }
0xeb: {  	_ =	shalt  }

</sc_bundles>
